<compile_context>
chip_gen: v7x
topology: tpu7x:2x2x1
jax: 0.10.2.dev20260603
libtpu: 0.0.44.dev20260713+nightly
codegen_flags: <defaults>
</compile_context>

<pallas_src>
import jax
import jax.numpy as jnp
from jax import lax
from jax.experimental import pallas as pl
from jax.experimental.pallas import tpu as pltpu
from jax.experimental.pallas import tpu_sc as plsc

_ALPHA = 0.1
_BETA = 0.5
_K = 9
_EPS = 1e-5
_INF = float("inf")


def _tc_score_idx(x_ref, idx_ref, tok_ref):
    i = pl.program_id(0)
    A = x_ref[0]
    C, N = A.shape
    G = jax.lax.dot_general(A, A, (((0,), (0,)), ((), ())),
                            preferred_element_type=jnp.float32)
    sq = jnp.sum(A * A, axis=0, keepdims=True)
    score = sq - 2.0 * G
    ciota = jax.lax.broadcasted_iota(jnp.int32, (N, N), 1).astype(jnp.float32)
    cols = []
    for _ in range(_K):
        rmin = jnp.min(score, axis=1, keepdims=True)
        hit = score == rmin
        idxk = jnp.min(jnp.where(hit, ciota, float(N)), axis=1, keepdims=True)
        score = jnp.where(hit, _INF, score)
        cols.append(idxk)
    cols += [cols[0]] * (16 - _K)
    idx_ref[...] = (jnp.transpose(jnp.concatenate(cols, axis=1)).astype(jnp.int32)
                    + i * N)
    tok_ref[...] = jnp.concatenate(
        [jnp.transpose(A), jnp.zeros((N, 128 - C), jnp.float32)],
        axis=1)


def _sc_gather_body(tok_ref, idx_ref, zero_ref, nm_ref, idx_v, acc_v, sem):
    wid = lax.axis_index("s") * 2 + lax.axis_index("c")
    base = wid * 128
    z = pltpu.async_copy(zero_ref, acc_v, sem)
    pltpu.sync_copy(idx_ref.at[:, pl.ds(base, 128)], idx_v)
    z.wait()
    cps = [pltpu.async_copy(tok_ref.at[idx_v.at[j]], acc_v, sem, add=True)
           for j in range(_K)]
    for cp in cps:
        cp.wait()
    pltpu.sync_copy(acc_v, nm_ref.at[pl.ds(base, 128), :])


def _tc_finish(nm_ref, x_ref, x0_ref, w_ref, b_ref, g_ref, bb_ref,
               out_ref, pre_ref):
    B, C, N = x_ref.shape
    i = pl.program_id(0)
    nmT = jnp.transpose(nm_ref[0])[:C]
    h = ((1.0 - _ALPHA) / _K) * nmT + _ALPHA * x0_ref[0]
    lin = jnp.dot(w_ref[...], h, preferred_element_type=jnp.float32) + b_ref[...]
    pre_ref[i] = (1.0 - _BETA) * h + _BETA * lin

    @pl.when(i == B - 1)
    def _bn():
        s1 = pre_ref[0]
        for j in range(1, B):
            s1 = s1 + pre_ref[j]
        mean = jnp.sum(s1, axis=1, keepdims=True) * (1.0 / (B * N))
        s2 = jnp.zeros((C, 1), jnp.float32)
        for j in range(B):
            d = pre_ref[j] - mean
            s2 = s2 + jnp.sum(d * d, axis=1, keepdims=True)
        var = s2 * (1.0 / (B * N))
        scale = g_ref[...] * jax.lax.rsqrt(var + _EPS)
        shift = bb_ref[...] - mean * scale
        for j in range(B):
            out_ref[j] = jnp.maximum(pre_ref[j] * scale + shift + x_ref[j], 0.0)


def _sc_gather(tok_nc, idx, zeros):
    BN, Cp = tok_nc.shape
    mesh = plsc.VectorSubcoreMesh(core_axis_name="c", subcore_axis_name="s")
    return pl.kernel(
        _sc_gather_body,
        mesh=mesh,
        out_type=jax.ShapeDtypeStruct((BN, Cp), jnp.float32),
        scratch_types=[
            pltpu.VMEM((16, BN // 32), jnp.int32),
            pltpu.VMEM((BN // 32, Cp), jnp.float32),
            pltpu.SemaphoreType.DMA,
        ],
    )(tok_nc, idx, zeros)


def kernel(x, x_0, Wlin, b, gamma, beta_bn):
    B, C, H, W = x.shape
    N = H * W
    x3 = x.reshape(B, C, N)
    x03 = x_0.reshape(B, C, N)
    b2 = b.reshape(C, 1)
    g2 = gamma.reshape(C, 1)
    bb2 = beta_bn.reshape(C, 1)

    idx, tok_nc = pl.pallas_call(
        _tc_score_idx,
        grid=(B,),
        in_specs=[pl.BlockSpec((1, C, N), lambda i: (i, 0, 0))],
        out_specs=[
            pl.BlockSpec((16, N), lambda i: (0, i)),
            pl.BlockSpec((N, 128), lambda i: (i, 0)),
        ],
        out_shape=[
            jax.ShapeDtypeStruct((16, B * N), jnp.int32),
            jax.ShapeDtypeStruct((B * N, 128), jnp.float32),
        ],
    )(x3)

    zeros = jnp.zeros((N // 8, 128), jnp.float32)
    nm = _sc_gather(tok_nc, idx, zeros)

    full3 = pl.BlockSpec((B, C, N), lambda i: (0, 0, 0))
    col = pl.BlockSpec((C, 1), lambda i: (0, 0))
    out = pl.pallas_call(
        _tc_finish,
        grid=(B,),
        in_specs=[
            pl.BlockSpec((1, N, 128), lambda i: (i, 0, 0)),
            full3,
            pl.BlockSpec((1, C, N), lambda i: (i, 0, 0)),
            pl.BlockSpec((C, C), lambda i: (0, 0)),
            col, col, col,
        ],
        out_specs=full3,
        out_shape=jax.ShapeDtypeStruct((B, C, N), jnp.float32),
        scratch_shapes=[pltpu.VMEM((B, C, N), jnp.float32)],
    )(nm.reshape(B, N, 128), x3, x03, Wlin, b2, g2, bb2)
    return out.reshape(B, C, H, W)

# --- scband reference (transcript-rebuilt; emitter-appended) ---
"""Pipeline reference for scband-gcniiblock-1365799600618 (READ-ONLY COPY).

The authoritative reference and input builder live on the scoring server;
editing this copy changes nothing except your own understanding.
"""

import jax, jax.numpy as jnp
import numpy as np

ALPHA = 0.1
BETA = 0.5 / 1.0  # theta / layer_idx
K = 9
EPS = 1e-5


def setup_inputs(seed: int = 0) -> dict:
    key = jax.random.key(seed)
    k1, k2, k3 = jax.random.split(key, 3)
    B, C, H, W = 4, 96, 32, 32
    x = jax.random.normal(k1, (B, C, H, W), dtype=jnp.float32)
    x_0 = jax.random.normal(k2, (B, C, H, W), dtype=jnp.float32)
    Wlin = jax.random.normal(k3, (C, C), dtype=jnp.float32) * (1.0 / np.sqrt(C))
    b = jnp.zeros((C,), jnp.float32)
    gamma = jnp.ones((C,), jnp.float32)
    beta_bn = jnp.zeros((C,), jnp.float32)
    return {"x": x, "x_0": x_0, "Wlin": Wlin, "b": b, "gamma": gamma, "beta_bn": beta_bn}


def _cdist(a):
    # pairwise euclidean distance, [B, N, N]
    sq = jnp.sum(a * a, axis=-1)
    d2 = sq[:, :, None] + sq[:, None, :] - 2.0 * jnp.einsum('bnc,bmc->bnm', a, a)
    return jnp.sqrt(jnp.clip(d2, 0.0, None))


def reference(x, x_0, Wlin, b, gamma, beta_bn):
    B, C, H, W = x.shape
    r = x
    tokens = x.reshape(B, C, H * W).transpose(0, 2, 1)      # [B, N, C]
    tokens_0 = x_0.reshape(B, C, H * W).transpose(0, 2, 1)  # [B, N, C]
    dist = _cdist(tokens)
    _, idx = jax.lax.top_k(-dist, K)                         # smallest-k -> [B, N, K]
    gathered = jax.vmap(lambda t, i: t[i])(tokens, idx)      # [B, N, K, C]
    neighbor_mean = gathered.mean(axis=2)                    # [B, N, C]
    h = (1.0 - ALPHA) * neighbor_mean + ALPHA * tokens_0
    lin = h @ Wlin.T + b
    out = (1.0 - BETA) * h + BETA * lin
    out = out.transpose(0, 2, 1).reshape(B, C, H, W)
    # BatchNorm2d in training mode: batch stats (biased variance)
    mean = out.mean(axis=(0, 2, 3), keepdims=True)
    var = out.var(axis=(0, 2, 3), keepdims=True)
    out_bn = gamma[None, :, None, None] * (out - mean) / jnp.sqrt(var + EPS) + beta_bn[None, :, None, None]
    return jax.nn.relu(out_bn + r)

if __name__ == "__main__":
    import jax
    _d = setup_inputs()
    print(jax.jit(kernel)(*tuple(_d.values())))

</pallas_src>

<mosaic_0001>
#map = affine_map<(d0, d1) -> (0, 0)>
module attributes {stable_mosaic.version = 14 : i64} {
  func.func @_sc_gather_body(%arg0: i32, %arg1: i32, %arg2: memref<4096x128xf32, #tpu.memory_space<hbm>>, %arg3: memref<16x4096xi32, #tpu.memory_space<hbm>>, %arg4: memref<128x128xf32, #tpu.memory_space<hbm>>, %arg5: memref<4096x128xf32, #tpu.memory_space<hbm>>, %arg6: memref<16x128xi32, #tpu.memory_space<vmem>>, %arg7: memref<128x128xf32, #tpu.memory_space<vmem>>, %arg8: memref<!tpu.dma_semaphore, #tpu.memory_space<semaphore_mem>>) attributes {dimension_semantics = [#tpu.dimension_semantics<core_parallel>, #tpu.dimension_semantics<subcore_parallel>], iteration_bounds = array<i64: 2, 16>, scalar_prefetch = 0 : i64, scratch_operands = 3 : i64, tpu.core_type = #tpu.core_type<sc_vector_subcore>, window_params = [{transform_indices = #map}, {transform_indices = #map}, {transform_indices = #map}, {transform_indices = #map}]} {
    %mul3A = arith.constant 2 : i32
    %mul3A_0 = arith.muli %arg1, %mul3A : i32
    %add3A = arith.addi %mul3A_0, %arg0 : i32
    %mul3A_1 = arith.constant 128 : i32
    %mul3A_2 = arith.muli %add3A, %mul3A_1 : i32
    tpu.enqueue_dma source(%arg4 : memref<128x128xf32, #tpu.memory_space<hbm>>) target(%arg7 : memref<128x128xf32, #tpu.memory_space<vmem>>) target_semaphore(%arg8 : memref<!tpu.dma_semaphore, #tpu.memory_space<semaphore_mem>>)
    "tpu.region"() ({
      %run_scoped3A = tpu.sem_alloc : memref<!tpu.dma_semaphore, #tpu.memory_space<semaphore_mem>>
      %dma_start3A_127 = arith.constant 0 : i32
      %dma_start3A_128 = tpu.memref_slice %arg3[%dma_start3A_127, %mul3A_2] : memref<16x4096xi32, #tpu.memory_space<hbm>> -> memref<16x128xi32, #tpu.memory_space<hbm>>
      %dma_start3A_129 = arith.constant 0 : i32
      %dma_start3A_130 = tpu.memref_slice %arg3[%dma_start3A_129, %mul3A_2] : memref<16x4096xi32, #tpu.memory_space<hbm>> -> memref<16x128xi32, #tpu.memory_space<hbm>>
      tpu.enqueue_dma source(%dma_start3A_130 : memref<16x128xi32, #tpu.memory_space<hbm>>) target(%arg6 : memref<16x128xi32, #tpu.memory_space<vmem>>) target_semaphore(%run_scoped3A : memref<!tpu.dma_semaphore, #tpu.memory_space<semaphore_mem>>)
      %dma_wait3A_131 = arith.constant 0 : i32
      %dma_wait3A_132 = tpu.memref_slice %arg3[%dma_wait3A_131, %mul3A_2] : memref<16x4096xi32, #tpu.memory_space<hbm>> -> memref<16x128xi32, #tpu.memory_space<hbm>>
      %dma_wait3A_133 = arith.constant 0 : i32
      %dma_wait3A_134 = tpu.memref_slice %arg3[%dma_wait3A_133, %mul3A_2] : memref<16x4096xi32, #tpu.memory_space<hbm>> -> memref<16x128xi32, #tpu.memory_space<hbm>>
      tpu.wait_dma2 semaphore(%run_scoped3A : memref<!tpu.dma_semaphore, #tpu.memory_space<semaphore_mem>>) src(%dma_wait3A_134 : memref<16x128xi32, #tpu.memory_space<hbm>>) dst(%arg6 : memref<16x128xi32, #tpu.memory_space<vmem>>)
      tpu.yield
    }) : () -> ()
    tpu.wait_dma2 semaphore(%arg8 : memref<!tpu.dma_semaphore, #tpu.memory_space<semaphore_mem>>) src(%arg4 : memref<128x128xf32, #tpu.memory_space<hbm>>) dst(%arg7 : memref<128x128xf32, #tpu.memory_space<vmem>>)
    %dma_start3A = arith.constant 0 : i32
    %dma_start3A_3 = arith.constant 0 : i32
    %dma_start3A_4 = tpu.memref_slice %arg6[%dma_start3A, %dma_start3A_3] : memref<16x128xi32, #tpu.memory_space<vmem>> -> memref<1x128xi32, #tpu.memory_space<vmem>>
    %dma_start3A_5 = tpu.memref_squeeze %dma_start3A_4 : memref<1x128xi32, #tpu.memory_space<vmem>> -> memref<128xi32, #tpu.memory_space<vmem>>
    %dma_start3A_6 = arith.constant 0 : i32
    %dma_start3A_7 = arith.constant 0 : i32
    %dma_start3A_8 = tpu.memref_slice %arg2[%dma_start3A_6, %dma_start3A_7] : memref<4096x128xf32, #tpu.memory_space<hbm>> -> memref<4096x128xf32, #tpu.memory_space<hbm>>
    tpu.enqueue_indirect_dma source(%dma_start3A_8 : memref<4096x128xf32, #tpu.memory_space<hbm>>) target(%arg7 : memref<128x128xf32, #tpu.memory_space<vmem>>) offsets(%dma_start3A_5 : memref<128xi32, #tpu.memory_space<vmem>>) semaphore(%arg8 : memref<!tpu.dma_semaphore, #tpu.memory_space<semaphore_mem>>) {add = true}
    %dma_start3A_9 = arith.constant 1 : i32
    %dma_start3A_10 = arith.constant 0 : i32
    %dma_start3A_11 = tpu.memref_slice %arg6[%dma_start3A_9, %dma_start3A_10] : memref<16x128xi32, #tpu.memory_space<vmem>> -> memref<1x128xi32, #tpu.memory_space<vmem>>
    %dma_start3A_12 = tpu.memref_squeeze %dma_start3A_11 : memref<1x128xi32, #tpu.memory_space<vmem>> -> memref<128xi32, #tpu.memory_space<vmem>>
    %dma_start3A_13 = arith.constant 0 : i32
    %dma_start3A_14 = arith.constant 0 : i32
    %dma_start3A_15 = tpu.memref_slice %arg2[%dma_start3A_13, %dma_start3A_14] : memref<4096x128xf32, #tpu.memory_space<hbm>> -> memref<4096x128xf32, #tpu.memory_space<hbm>>
    tpu.enqueue_indirect_dma source(%dma_start3A_15 : memref<4096x128xf32, #tpu.memory_space<hbm>>) target(%arg7 : memref<128x128xf32, #tpu.memory_space<vmem>>) offsets(%dma_start3A_12 : memref<128xi32, #tpu.memory_space<vmem>>) semaphore(%arg8 : memref<!tpu.dma_semaphore, #tpu.memory_space<semaphore_mem>>) {add = true}
    %dma_start3A_16 = arith.constant 2 : i32
    %dma_start3A_17 = arith.constant 0 : i32
    %dma_start3A_18 = tpu.memref_slice %arg6[%dma_start3A_16, %dma_start3A_17] : memref<16x128xi32, #tpu.memory_space<vmem>> -> memref<1x128xi32, #tpu.memory_space<vmem>>
    %dma_start3A_19 = tpu.memref_squeeze %dma_start3A_18 : memref<1x128xi32, #tpu.memory_space<vmem>> -> memref<128xi32, #tpu.memory_space<vmem>>
    %dma_start3A_20 = arith.constant 0 : i32
    %dma_start3A_21 = arith.constant 0 : i32
    %dma_start3A_22 = tpu.memref_slice %arg2[%dma_start3A_20, %dma_start3A_21] : memref<4096x128xf32, #tpu.memory_space<hbm>> -> memref<4096x128xf32, #tpu.memory_space<hbm>>
    tpu.enqueue_indirect_dma source(%dma_start3A_22 : memref<4096x128xf32, #tpu.memory_space<hbm>>) target(%arg7 : memref<128x128xf32, #tpu.memory_space<vmem>>) offsets(%dma_start3A_19 : memref<128xi32, #tpu.memory_space<vmem>>) semaphore(%arg8 : memref<!tpu.dma_semaphore, #tpu.memory_space<semaphore_mem>>) {add = true}
    %dma_start3A_23 = arith.constant 3 : i32
    %dma_start3A_24 = arith.constant 0 : i32
    %dma_start3A_25 = tpu.memref_slice %arg6[%dma_start3A_23, %dma_start3A_24] : memref<16x128xi32, #tpu.memory_space<vmem>> -> memref<1x128xi32, #tpu.memory_space<vmem>>
    %dma_start3A_26 = tpu.memref_squeeze %dma_start3A_25 : memref<1x128xi32, #tpu.memory_space<vmem>> -> memref<128xi32, #tpu.memory_space<vmem>>
    %dma_start3A_27 = arith.constant 0 : i32
    %dma_start3A_28 = arith.constant 0 : i32
    %dma_start3A_29 = tpu.memref_slice %arg2[%dma_start3A_27, %dma_start3A_28] : memref<4096x128xf32, #tpu.memory_space<hbm>> -> memref<4096x128xf32, #tpu.memory_space<hbm>>
    tpu.enqueue_indirect_dma source(%dma_start3A_29 : memref<4096x128xf32, #tpu.memory_space<hbm>>) target(%arg7 : memref<128x128xf32, #tpu.memory_space<vmem>>) offsets(%dma_start3A_26 : memref<128xi32, #tpu.memory_space<vmem>>) semaphore(%arg8 : memref<!tpu.dma_semaphore, #tpu.memory_space<semaphore_mem>>) {add = true}
    %dma_start3A_30 = arith.constant 4 : i32
    %dma_start3A_31 = arith.constant 0 : i32
    %dma_start3A_32 = tpu.memref_slice %arg6[%dma_start3A_30, %dma_start3A_31] : memref<16x128xi32, #tpu.memory_space<vmem>> -> memref<1x128xi32, #tpu.memory_space<vmem>>
    %dma_start3A_33 = tpu.memref_squeeze %dma_start3A_32 : memref<1x128xi32, #tpu.memory_space<vmem>> -> memref<128xi32, #tpu.memory_space<vmem>>
    %dma_start3A_34 = arith.constant 0 : i32
    %dma_start3A_35 = arith.constant 0 : i32
    %dma_start3A_36 = tpu.memref_slice %arg2[%dma_start3A_34, %dma_start3A_35] : memref<4096x128xf32, #tpu.memory_space<hbm>> -> memref<4096x128xf32, #tpu.memory_space<hbm>>
    tpu.enqueue_indirect_dma source(%dma_start3A_36 : memref<4096x128xf32, #tpu.memory_space<hbm>>) target(%arg7 : memref<128x128xf32, #tpu.memory_space<vmem>>) offsets(%dma_start3A_33 : memref<128xi32, #tpu.memory_space<vmem>>) semaphore(%arg8 : memref<!tpu.dma_semaphore, #tpu.memory_space<semaphore_mem>>) {add = true}
    %dma_start3A_37 = arith.constant 5 : i32
    %dma_start3A_38 = arith.constant 0 : i32
    %dma_start3A_39 = tpu.memref_slice %arg6[%dma_start3A_37, %dma_start3A_38] : memref<16x128xi32, #tpu.memory_space<vmem>> -> memref<1x128xi32, #tpu.memory_space<vmem>>
    %dma_start3A_40 = tpu.memref_squeeze %dma_start3A_39 : memref<1x128xi32, #tpu.memory_space<vmem>> -> memref<128xi32, #tpu.memory_space<vmem>>
    %dma_start3A_41 = arith.constant 0 : i32
    %dma_start3A_42 = arith.constant 0 : i32
    %dma_start3A_43 = tpu.memref_slice %arg2[%dma_start3A_41, %dma_start3A_42] : memref<4096x128xf32, #tpu.memory_space<hbm>> -> memref<4096x128xf32, #tpu.memory_space<hbm>>
    tpu.enqueue_indirect_dma source(%dma_start3A_43 : memref<4096x128xf32, #tpu.memory_space<hbm>>) target(%arg7 : memref<128x128xf32, #tpu.memory_space<vmem>>) offsets(%dma_start3A_40 : memref<128xi32, #tpu.memory_space<vmem>>) semaphore(%arg8 : memref<!tpu.dma_semaphore, #tpu.memory_space<semaphore_mem>>) {add = true}
    %dma_start3A_44 = arith.constant 6 : i32
    %dma_start3A_45 = arith.constant 0 : i32
    %dma_start3A_46 = tpu.memref_slice %arg6[%dma_start3A_44, %dma_start3A_45] : memref<16x128xi32, #tpu.memory_space<vmem>> -> memref<1x128xi32, #tpu.memory_space<vmem>>
    %dma_start3A_47 = tpu.memref_squeeze %dma_start3A_46 : memref<1x128xi32, #tpu.memory_space<vmem>> -> memref<128xi32, #tpu.memory_space<vmem>>
    %dma_start3A_48 = arith.constant 0 : i32
    %dma_start3A_49 = arith.constant 0 : i32
    %dma_start3A_50 = tpu.memref_slice %arg2[%dma_start3A_48, %dma_start3A_49] : memref<4096x128xf32, #tpu.memory_space<hbm>> -> memref<4096x128xf32, #tpu.memory_space<hbm>>
    tpu.enqueue_indirect_dma source(%dma_start3A_50 : memref<4096x128xf32, #tpu.memory_space<hbm>>) target(%arg7 : memref<128x128xf32, #tpu.memory_space<vmem>>) offsets(%dma_start3A_47 : memref<128xi32, #tpu.memory_space<vmem>>) semaphore(%arg8 : memref<!tpu.dma_semaphore, #tpu.memory_space<semaphore_mem>>) {add = true}
    %dma_start3A_51 = arith.constant 7 : i32
    %dma_start3A_52 = arith.constant 0 : i32
    %dma_start3A_53 = tpu.memref_slice %arg6[%dma_start3A_51, %dma_start3A_52] : memref<16x128xi32, #tpu.memory_space<vmem>> -> memref<1x128xi32, #tpu.memory_space<vmem>>
    %dma_start3A_54 = tpu.memref_squeeze %dma_start3A_53 : memref<1x128xi32, #tpu.memory_space<vmem>> -> memref<128xi32, #tpu.memory_space<vmem>>
    %dma_start3A_55 = arith.constant 0 : i32
    %dma_start3A_56 = arith.constant 0 : i32
    %dma_start3A_57 = tpu.memref_slice %arg2[%dma_start3A_55, %dma_start3A_56] : memref<4096x128xf32, #tpu.memory_space<hbm>> -> memref<4096x128xf32, #tpu.memory_space<hbm>>
    tpu.enqueue_indirect_dma source(%dma_start3A_57 : memref<4096x128xf32, #tpu.memory_space<hbm>>) target(%arg7 : memref<128x128xf32, #tpu.memory_space<vmem>>) offsets(%dma_start3A_54 : memref<128xi32, #tpu.memory_space<vmem>>) semaphore(%arg8 : memref<!tpu.dma_semaphore, #tpu.memory_space<semaphore_mem>>) {add = true}
    %dma_start3A_58 = arith.constant 8 : i32
    %dma_start3A_59 = arith.constant 0 : i32
    %dma_start3A_60 = tpu.memref_slice %arg6[%dma_start3A_58, %dma_start3A_59] : memref<16x128xi32, #tpu.memory_space<vmem>> -> memref<1x128xi32, #tpu.memory_space<vmem>>
    %dma_start3A_61 = tpu.memref_squeeze %dma_start3A_60 : memref<1x128xi32, #tpu.memory_space<vmem>> -> memref<128xi32, #tpu.memory_space<vmem>>
    %dma_start3A_62 = arith.constant 0 : i32
    %dma_start3A_63 = arith.constant 0 : i32
    %dma_start3A_64 = tpu.memref_slice %arg2[%dma_start3A_62, %dma_start3A_63] : memref<4096x128xf32, #tpu.memory_space<hbm>> -> memref<4096x128xf32, #tpu.memory_space<hbm>>
    tpu.enqueue_indirect_dma source(%dma_start3A_64 : memref<4096x128xf32, #tpu.memory_space<hbm>>) target(%arg7 : memref<128x128xf32, #tpu.memory_space<vmem>>) offsets(%dma_start3A_61 : memref<128xi32, #tpu.memory_space<vmem>>) semaphore(%arg8 : memref<!tpu.dma_semaphore, #tpu.memory_space<semaphore_mem>>) {add = true}
    %dma_wait3A = arith.constant 0 : i32
    %dma_wait3A_65 = arith.constant 0 : i32
    %dma_wait3A_66 = tpu.memref_slice %arg6[%dma_wait3A, %dma_wait3A_65] : memref<16x128xi32, #tpu.memory_space<vmem>> -> memref<1x128xi32, #tpu.memory_space<vmem>>
    %dma_wait3A_67 = tpu.memref_squeeze %dma_wait3A_66 : memref<1x128xi32, #tpu.memory_space<vmem>> -> memref<128xi32, #tpu.memory_space<vmem>>
    %dma_wait3A_68 = arith.constant 0 : i32
    %dma_wait3A_69 = arith.constant 0 : i32
    %dma_wait3A_70 = tpu.memref_slice %arg2[%dma_wait3A_68, %dma_wait3A_69] : memref<4096x128xf32, #tpu.memory_space<hbm>> -> memref<4096x128xf32, #tpu.memory_space<hbm>>
    tpu.wait_indirect_dma semaphore(%arg8 : memref<!tpu.dma_semaphore, #tpu.memory_space<semaphore_mem>>) src(%dma_wait3A_70 : memref<4096x128xf32, #tpu.memory_space<hbm>>) dst(%arg7 : memref<128x128xf32, #tpu.memory_space<vmem>>)
    %dma_wait3A_71 = arith.constant 1 : i32
    %dma_wait3A_72 = arith.constant 0 : i32
    %dma_wait3A_73 = tpu.memref_slice %arg6[%dma_wait3A_71, %dma_wait3A_72] : memref<16x128xi32, #tpu.memory_space<vmem>> -> memref<1x128xi32, #tpu.memory_space<vmem>>
    %dma_wait3A_74 = tpu.memref_squeeze %dma_wait3A_73 : memref<1x128xi32, #tpu.memory_space<vmem>> -> memref<128xi32, #tpu.memory_space<vmem>>
    %dma_wait3A_75 = arith.constant 0 : i32
    %dma_wait3A_76 = arith.constant 0 : i32
    %dma_wait3A_77 = tpu.memref_slice %arg2[%dma_wait3A_75, %dma_wait3A_76] : memref<4096x128xf32, #tpu.memory_space<hbm>> -> memref<4096x128xf32, #tpu.memory_space<hbm>>
    tpu.wait_indirect_dma semaphore(%arg8 : memref<!tpu.dma_semaphore, #tpu.memory_space<semaphore_mem>>) src(%dma_wait3A_77 : memref<4096x128xf32, #tpu.memory_space<hbm>>) dst(%arg7 : memref<128x128xf32, #tpu.memory_space<vmem>>)
    %dma_wait3A_78 = arith.constant 2 : i32
    %dma_wait3A_79 = arith.constant 0 : i32
    %dma_wait3A_80 = tpu.memref_slice %arg6[%dma_wait3A_78, %dma_wait3A_79] : memref<16x128xi32, #tpu.memory_space<vmem>> -> memref<1x128xi32, #tpu.memory_space<vmem>>
    %dma_wait3A_81 = tpu.memref_squeeze %dma_wait3A_80 : memref<1x128xi32, #tpu.memory_space<vmem>> -> memref<128xi32, #tpu.memory_space<vmem>>
    %dma_wait3A_82 = arith.constant 0 : i32
    %dma_wait3A_83 = arith.constant 0 : i32
    %dma_wait3A_84 = tpu.memref_slice %arg2[%dma_wait3A_82, %dma_wait3A_83] : memref<4096x128xf32, #tpu.memory_space<hbm>> -> memref<4096x128xf32, #tpu.memory_space<hbm>>
    tpu.wait_indirect_dma semaphore(%arg8 : memref<!tpu.dma_semaphore, #tpu.memory_space<semaphore_mem>>) src(%dma_wait3A_84 : memref<4096x128xf32, #tpu.memory_space<hbm>>) dst(%arg7 : memref<128x128xf32, #tpu.memory_space<vmem>>)
    %dma_wait3A_85 = arith.constant 3 : i32
    %dma_wait3A_86 = arith.constant 0 : i32
    %dma_wait3A_87 = tpu.memref_slice %arg6[%dma_wait3A_85, %dma_wait3A_86] : memref<16x128xi32, #tpu.memory_space<vmem>> -> memref<1x128xi32, #tpu.memory_space<vmem>>
    %dma_wait3A_88 = tpu.memref_squeeze %dma_wait3A_87 : memref<1x128xi32, #tpu.memory_space<vmem>> -> memref<128xi32, #tpu.memory_space<vmem>>
    %dma_wait3A_89 = arith.constant 0 : i32
    %dma_wait3A_90 = arith.constant 0 : i32
    %dma_wait3A_91 = tpu.memref_slice %arg2[%dma_wait3A_89, %dma_wait3A_90] : memref<4096x128xf32, #tpu.memory_space<hbm>> -> memref<4096x128xf32, #tpu.memory_space<hbm>>
    tpu.wait_indirect_dma semaphore(%arg8 : memref<!tpu.dma_semaphore, #tpu.memory_space<semaphore_mem>>) src(%dma_wait3A_91 : memref<4096x128xf32, #tpu.memory_space<hbm>>) dst(%arg7 : memref<128x128xf32, #tpu.memory_space<vmem>>)
    %dma_wait3A_92 = arith.constant 4 : i32
    %dma_wait3A_93 = arith.constant 0 : i32
    %dma_wait3A_94 = tpu.memref_slice %arg6[%dma_wait3A_92, %dma_wait3A_93] : memref<16x128xi32, #tpu.memory_space<vmem>> -> memref<1x128xi32, #tpu.memory_space<vmem>>
    %dma_wait3A_95 = tpu.memref_squeeze %dma_wait3A_94 : memref<1x128xi32, #tpu.memory_space<vmem>> -> memref<128xi32, #tpu.memory_space<vmem>>
    %dma_wait3A_96 = arith.constant 0 : i32
    %dma_wait3A_97 = arith.constant 0 : i32
    %dma_wait3A_98 = tpu.memref_slice %arg2[%dma_wait3A_96, %dma_wait3A_97] : memref<4096x128xf32, #tpu.memory_space<hbm>> -> memref<4096x128xf32, #tpu.memory_space<hbm>>
    tpu.wait_indirect_dma semaphore(%arg8 : memref<!tpu.dma_semaphore, #tpu.memory_space<semaphore_mem>>) src(%dma_wait3A_98 : memref<4096x128xf32, #tpu.memory_space<hbm>>) dst(%arg7 : memref<128x128xf32, #tpu.memory_space<vmem>>)
    %dma_wait3A_99 = arith.constant 5 : i32
    %dma_wait3A_100 = arith.constant 0 : i32
    %dma_wait3A_101 = tpu.memref_slice %arg6[%dma_wait3A_99, %dma_wait3A_100] : memref<16x128xi32, #tpu.memory_space<vmem>> -> memref<1x128xi32, #tpu.memory_space<vmem>>
    %dma_wait3A_102 = tpu.memref_squeeze %dma_wait3A_101 : memref<1x128xi32, #tpu.memory_space<vmem>> -> memref<128xi32, #tpu.memory_space<vmem>>
    %dma_wait3A_103 = arith.constant 0 : i32
    %dma_wait3A_104 = arith.constant 0 : i32
    %dma_wait3A_105 = tpu.memref_slice %arg2[%dma_wait3A_103, %dma_wait3A_104] : memref<4096x128xf32, #tpu.memory_space<hbm>> -> memref<4096x128xf32, #tpu.memory_space<hbm>>
    tpu.wait_indirect_dma semaphore(%arg8 : memref<!tpu.dma_semaphore, #tpu.memory_space<semaphore_mem>>) src(%dma_wait3A_105 : memref<4096x128xf32, #tpu.memory_space<hbm>>) dst(%arg7 : memref<128x128xf32, #tpu.memory_space<vmem>>)
    %dma_wait3A_106 = arith.constant 6 : i32
    %dma_wait3A_107 = arith.constant 0 : i32
    %dma_wait3A_108 = tpu.memref_slice %arg6[%dma_wait3A_106, %dma_wait3A_107] : memref<16x128xi32, #tpu.memory_space<vmem>> -> memref<1x128xi32, #tpu.memory_space<vmem>>
    %dma_wait3A_109 = tpu.memref_squeeze %dma_wait3A_108 : memref<1x128xi32, #tpu.memory_space<vmem>> -> memref<128xi32, #tpu.memory_space<vmem>>
    %dma_wait3A_110 = arith.constant 0 : i32
    %dma_wait3A_111 = arith.constant 0 : i32
    %dma_wait3A_112 = tpu.memref_slice %arg2[%dma_wait3A_110, %dma_wait3A_111] : memref<4096x128xf32, #tpu.memory_space<hbm>> -> memref<4096x128xf32, #tpu.memory_space<hbm>>
    tpu.wait_indirect_dma semaphore(%arg8 : memref<!tpu.dma_semaphore, #tpu.memory_space<semaphore_mem>>) src(%dma_wait3A_112 : memref<4096x128xf32, #tpu.memory_space<hbm>>) dst(%arg7 : memref<128x128xf32, #tpu.memory_space<vmem>>)
    %dma_wait3A_113 = arith.constant 7 : i32
    %dma_wait3A_114 = arith.constant 0 : i32
    %dma_wait3A_115 = tpu.memref_slice %arg6[%dma_wait3A_113, %dma_wait3A_114] : memref<16x128xi32, #tpu.memory_space<vmem>> -> memref<1x128xi32, #tpu.memory_space<vmem>>
    %dma_wait3A_116 = tpu.memref_squeeze %dma_wait3A_115 : memref<1x128xi32, #tpu.memory_space<vmem>> -> memref<128xi32, #tpu.memory_space<vmem>>
    %dma_wait3A_117 = arith.constant 0 : i32
    %dma_wait3A_118 = arith.constant 0 : i32
    %dma_wait3A_119 = tpu.memref_slice %arg2[%dma_wait3A_117, %dma_wait3A_118] : memref<4096x128xf32, #tpu.memory_space<hbm>> -> memref<4096x128xf32, #tpu.memory_space<hbm>>
    tpu.wait_indirect_dma semaphore(%arg8 : memref<!tpu.dma_semaphore, #tpu.memory_space<semaphore_mem>>) src(%dma_wait3A_119 : memref<4096x128xf32, #tpu.memory_space<hbm>>) dst(%arg7 : memref<128x128xf32, #tpu.memory_space<vmem>>)
    %dma_wait3A_120 = arith.constant 8 : i32
    %dma_wait3A_121 = arith.constant 0 : i32
    %dma_wait3A_122 = tpu.memref_slice %arg6[%dma_wait3A_120, %dma_wait3A_121] : memref<16x128xi32, #tpu.memory_space<vmem>> -> memref<1x128xi32, #tpu.memory_space<vmem>>
    %dma_wait3A_123 = tpu.memref_squeeze %dma_wait3A_122 : memref<1x128xi32, #tpu.memory_space<vmem>> -> memref<128xi32, #tpu.memory_space<vmem>>
    %dma_wait3A_124 = arith.constant 0 : i32
    %dma_wait3A_125 = arith.constant 0 : i32
    %dma_wait3A_126 = tpu.memref_slice %arg2[%dma_wait3A_124, %dma_wait3A_125] : memref<4096x128xf32, #tpu.memory_space<hbm>> -> memref<4096x128xf32, #tpu.memory_space<hbm>>
    tpu.wait_indirect_dma semaphore(%arg8 : memref<!tpu.dma_semaphore, #tpu.memory_space<semaphore_mem>>) src(%dma_wait3A_126 : memref<4096x128xf32, #tpu.memory_space<hbm>>) dst(%arg7 : memref<128x128xf32, #tpu.memory_space<vmem>>)
    "tpu.region"() ({
      %run_scoped3A = tpu.sem_alloc : memref<!tpu.dma_semaphore, #tpu.memory_space<semaphore_mem>>
      %dma_start3A_127 = arith.constant 0 : i32
      %dma_start3A_128 = tpu.memref_slice %arg5[%mul3A_2, %dma_start3A_127] : memref<4096x128xf32, #tpu.memory_space<hbm>> -> memref<128x128xf32, #tpu.memory_space<hbm>>
      %dma_start3A_129 = arith.constant 0 : i32
      %dma_start3A_130 = tpu.memref_slice %arg5[%mul3A_2, %dma_start3A_129] : memref<4096x128xf32, #tpu.memory_space<hbm>> -> memref<128x128xf32, #tpu.memory_space<hbm>>
      tpu.enqueue_dma source(%arg7 : memref<128x128xf32, #tpu.memory_space<vmem>>) target(%dma_start3A_130 : memref<128x128xf32, #tpu.memory_space<hbm>>) target_semaphore(%run_scoped3A : memref<!tpu.dma_semaphore, #tpu.memory_space<semaphore_mem>>)
      %dma_wait3A_131 = arith.constant 0 : i32
      %dma_wait3A_132 = tpu.memref_slice %arg5[%mul3A_2, %dma_wait3A_131] : memref<4096x128xf32, #tpu.memory_space<hbm>> -> memref<128x128xf32, #tpu.memory_space<hbm>>
      %dma_wait3A_133 = arith.constant 0 : i32
      %dma_wait3A_134 = tpu.memref_slice %arg5[%mul3A_2, %dma_wait3A_133] : memref<4096x128xf32, #tpu.memory_space<hbm>> -> memref<128x128xf32, #tpu.memory_space<hbm>>
      tpu.wait_dma2 semaphore(%run_scoped3A : memref<!tpu.dma_semaphore, #tpu.memory_space<semaphore_mem>>) src(%arg7 : memref<128x128xf32, #tpu.memory_space<vmem>>) dst(%dma_wait3A_134 : memref<128x128xf32, #tpu.memory_space<hbm>>)
      tpu.yield
    }) : () -> ()
    return
  }
}

module attributes {stable_mosaic.version = 14 : i64} {
  func.func @_tc_score_idx(%arg0: i32, %arg1: memref<1x96x1024xf32, #tpu.memory_space<vmem>>, %arg2: memref<16x1024xi32, #tpu.memory_space<vmem>>, %arg3: memref<1024x128xf32, #tpu.memory_space<vmem>>) attributes {dimension_semantics = [#tpu.dimension_semantics<arbitrary>], iteration_bounds = array<i64: 4>, scalar_prefetch = 0 : i64, scratch_operands = 0 : i64, tpu.core_type = #tpu.core_type<tc>, window_params = [{transform_indices = @transform_0, window_bounds = array<i64: 1, 96, 1024>}, {transform_indices = @transform_1, window_bounds = array<i64: 16, 1024>}, {transform_indices = @transform_2, window_bounds = array<i64: 1024, 128>}]} {
    %get3A = arith.constant 0 : index
    %get3A_0 = arith.constant 0 : index
    %get3A_1 = arith.constant 0 : index
    %get3A_2 = vector.load %arg1[%get3A, %get3A_0, %get3A_1] : memref<1x96x1024xf32, #tpu.memory_space<vmem>>, vector<1x96x1024xf32>
    %get3A_3 = vector.shape_cast %get3A_2 : vector<1x96x1024xf32> to vector<96x1024xf32>
    %dot_general3A = arith.constant dense<0.000000e+00> : vector<1024x1024xf32>
    %dot_general3A_4 = tpu.matmul %get3A_3, %get3A_3, %dot_general3A {dimension_numbers = #tpu.dot_dimension_numbers<[0], [0], [1], [1], [0, 1, 1, 1], [], []>, transpose_lhs_hint = false} : vector<96x1024xf32>, vector<96x1024xf32>, vector<1024x1024xf32> -> vector<1024x1024xf32>
    %mul3A = arith.mulf %get3A_3, %get3A_3 : vector<96x1024xf32>
    %reduce_sum3A = arith.constant dense<0.000000e+00> : vector<1024xf32>
    %reduce_sum3A_5 = vector.multi_reduction <add>, %mul3A, %reduce_sum3A [0] : vector<96x1024xf32> to vector<1024xf32>
    %broadcast_in_dim3A = vector.shape_cast %reduce_sum3A_5 : vector<1024xf32> to vector<1x1024xf32>
    %mul3A_6 = arith.constant 2.000000e+00 : f32
    %mul3A_7 = vector.broadcast %mul3A_6 : f32 to vector<1024x1024xf32>
    %mul3A_8 = arith.mulf %mul3A_7, %dot_general3A_4 : vector<1024x1024xf32>
    %sub3A = vector.broadcast %broadcast_in_dim3A : vector<1x1024xf32> to vector<1024x1024xf32>
    %sub3A_9 = arith.subf %sub3A, %mul3A_8 : vector<1024x1024xf32>
    %iota3A = tpu.iota {dimensions = array<i32: 1>} : vector<1024x1024xi32>
    %convert_element_type3A = arith.sitofp %iota3A : vector<1024x1024xi32> to vector<1024x1024xf32>
    %reduce_min3A = arith.constant dense<0x7F800000> : vector<1024xf32>
    %reduce_min3A_10 = vector.multi_reduction <minimumf>, %sub3A_9, %reduce_min3A [1] : vector<1024x1024xf32> to vector<1024xf32>
    %broadcast_in_dim3A_11 = vector.shape_cast %reduce_min3A_10 : vector<1024xf32> to vector<1024x1xf32>
    %eq3A = vector.broadcast %broadcast_in_dim3A_11 : vector<1024x1xf32> to vector<1024x1024xf32>
    %eq3A_12 = arith.cmpf oeq, %sub3A_9, %eq3A : vector<1024x1024xf32>
    %jit3A = arith.constant 1.024000e+03 : f32
    %broadcast_in_dim3A_13 = vector.broadcast %jit3A : f32 to vector<1024x1024xf32>
    %select_n3A = arith.select %eq3A_12, %convert_element_type3A, %broadcast_in_dim3A_13 : vector<1024x1024xi1>, vector<1024x1024xf32>
    %reduce_min3A_14 = arith.constant dense<0x7F800000> : vector<1024xf32>
    %reduce_min3A_15 = vector.multi_reduction <minimumf>, %select_n3A, %reduce_min3A_14 [1] : vector<1024x1024xf32> to vector<1024xf32>
    %broadcast_in_dim3A_16 = vector.shape_cast %reduce_min3A_15 : vector<1024xf32> to vector<1024x1xf32>
    %jit3A_17 = arith.constant 0x7F800000 : f32
    %broadcast_in_dim3A_18 = vector.broadcast %jit3A_17 : f32 to vector<1024x1024xf32>
    %select_n3A_19 = arith.select %eq3A_12, %broadcast_in_dim3A_18, %sub3A_9 : vector<1024x1024xi1>, vector<1024x1024xf32>
    %reduce_min3A_20 = arith.constant dense<0x7F800000> : vector<1024xf32>
    %reduce_min3A_21 = vector.multi_reduction <minimumf>, %select_n3A_19, %reduce_min3A_20 [1] : vector<1024x1024xf32> to vector<1024xf32>
    %broadcast_in_dim3A_22 = vector.shape_cast %reduce_min3A_21 : vector<1024xf32> to vector<1024x1xf32>
    %eq3A_23 = vector.broadcast %broadcast_in_dim3A_22 : vector<1024x1xf32> to vector<1024x1024xf32>
    %eq3A_24 = arith.cmpf oeq, %select_n3A_19, %eq3A_23 : vector<1024x1024xf32>
    %jit3A_25 = arith.constant 1.024000e+03 : f32
    %broadcast_in_dim3A_26 = vector.broadcast %jit3A_25 : f32 to vector<1024x1024xf32>
    %select_n3A_27 = arith.select %eq3A_24, %convert_element_type3A, %broadcast_in_dim3A_26 : vector<1024x1024xi1>, vector<1024x1024xf32>
    %reduce_min3A_28 = arith.constant dense<0x7F800000> : vector<1024xf32>
    %reduce_min3A_29 = vector.multi_reduction <minimumf>, %select_n3A_27, %reduce_min3A_28 [1] : vector<1024x1024xf32> to vector<1024xf32>
    %broadcast_in_dim3A_30 = vector.shape_cast %reduce_min3A_29 : vector<1024xf32> to vector<1024x1xf32>
    %jit3A_31 = arith.constant 0x7F800000 : f32
    %broadcast_in_dim3A_32 = vector.broadcast %jit3A_31 : f32 to vector<1024x1024xf32>
    %select_n3A_33 = arith.select %eq3A_24, %broadcast_in_dim3A_32, %select_n3A_19 : vector<1024x1024xi1>, vector<1024x1024xf32>
    %reduce_min3A_34 = arith.constant dense<0x7F800000> : vector<1024xf32>
    %reduce_min3A_35 = vector.multi_reduction <minimumf>, %select_n3A_33, %reduce_min3A_34 [1] : vector<1024x1024xf32> to vector<1024xf32>
    %broadcast_in_dim3A_36 = vector.shape_cast %reduce_min3A_35 : vector<1024xf32> to vector<1024x1xf32>
    %eq3A_37 = vector.broadcast %broadcast_in_dim3A_36 : vector<1024x1xf32> to vector<1024x1024xf32>
    %eq3A_38 = arith.cmpf oeq, %select_n3A_33, %eq3A_37 : vector<1024x1024xf32>
    %jit3A_39 = arith.constant 1.024000e+03 : f32
    %broadcast_in_dim3A_40 = vector.broadcast %jit3A_39 : f32 to vector<1024x1024xf32>
    %select_n3A_41 = arith.select %eq3A_38, %convert_element_type3A, %broadcast_in_dim3A_40 : vector<1024x1024xi1>, vector<1024x1024xf32>
    %reduce_min3A_42 = arith.constant dense<0x7F800000> : vector<1024xf32>
    %reduce_min3A_43 = vector.multi_reduction <minimumf>, %select_n3A_41, %reduce_min3A_42 [1] : vector<1024x1024xf32> to vector<1024xf32>
    %broadcast_in_dim3A_44 = vector.shape_cast %reduce_min3A_43 : vector<1024xf32> to vector<1024x1xf32>
    %jit3A_45 = arith.constant 0x7F800000 : f32
    %broadcast_in_dim3A_46 = vector.broadcast %jit3A_45 : f32 to vector<1024x1024xf32>
    %select_n3A_47 = arith.select %eq3A_38, %broadcast_in_dim3A_46, %select_n3A_33 : vector<1024x1024xi1>, vector<1024x1024xf32>
    %reduce_min3A_48 = arith.constant dense<0x7F800000> : vector<1024xf32>
    %reduce_min3A_49 = vector.multi_reduction <minimumf>, %select_n3A_47, %reduce_min3A_48 [1] : vector<1024x1024xf32> to vector<1024xf32>
    %broadcast_in_dim3A_50 = vector.shape_cast %reduce_min3A_49 : vector<1024xf32> to vector<1024x1xf32>
    %eq3A_51 = vector.broadcast %broadcast_in_dim3A_50 : vector<1024x1xf32> to vector<1024x1024xf32>
    %eq3A_52 = arith.cmpf oeq, %select_n3A_47, %eq3A_51 : vector<1024x1024xf32>
    %jit3A_53 = arith.constant 1.024000e+03 : f32
    %broadcast_in_dim3A_54 = vector.broadcast %jit3A_53 : f32 to vector<1024x1024xf32>
    %select_n3A_55 = arith.select %eq3A_52, %convert_element_type3A, %broadcast_in_dim3A_54 : vector<1024x1024xi1>, vector<1024x1024xf32>
    %reduce_min3A_56 = arith.constant dense<0x7F800000> : vector<1024xf32>
    %reduce_min3A_57 = vector.multi_reduction <minimumf>, %select_n3A_55, %reduce_min3A_56 [1] : vector<1024x1024xf32> to vector<1024xf32>
    %broadcast_in_dim3A_58 = vector.shape_cast %reduce_min3A_57 : vector<1024xf32> to vector<1024x1xf32>
    %jit3A_59 = arith.constant 0x7F800000 : f32
    %broadcast_in_dim3A_60 = vector.broadcast %jit3A_59 : f32 to vector<1024x1024xf32>
    %select_n3A_61 = arith.select %eq3A_52, %broadcast_in_dim3A_60, %select_n3A_47 : vector<1024x1024xi1>, vector<1024x1024xf32>
    %reduce_min3A_62 = arith.constant dense<0x7F800000> : vector<1024xf32>
    %reduce_min3A_63 = vector.multi_reduction <minimumf>, %select_n3A_61, %reduce_min3A_62 [1] : vector<1024x1024xf32> to vector<1024xf32>
    %broadcast_in_dim3A_64 = vector.shape_cast %reduce_min3A_63 : vector<1024xf32> to vector<1024x1xf32>
    %eq3A_65 = vector.broadcast %broadcast_in_dim3A_64 : vector<1024x1xf32> to vector<1024x1024xf32>
    %eq3A_66 = arith.cmpf oeq, %select_n3A_61, %eq3A_65 : vector<1024x1024xf32>
    %jit3A_67 = arith.constant 1.024000e+03 : f32
    %broadcast_in_dim3A_68 = vector.broadcast %jit3A_67 : f32 to vector<1024x1024xf32>
    %select_n3A_69 = arith.select %eq3A_66, %convert_element_type3A, %broadcast_in_dim3A_68 : vector<1024x1024xi1>, vector<1024x1024xf32>
    %reduce_min3A_70 = arith.constant dense<0x7F800000> : vector<1024xf32>
    %reduce_min3A_71 = vector.multi_reduction <minimumf>, %select_n3A_69, %reduce_min3A_70 [1] : vector<1024x1024xf32> to vector<1024xf32>
    %broadcast_in_dim3A_72 = vector.shape_cast %reduce_min3A_71 : vector<1024xf32> to vector<1024x1xf32>
    %jit3A_73 = arith.constant 0x7F800000 : f32
    %broadcast_in_dim3A_74 = vector.broadcast %jit3A_73 : f32 to vector<1024x1024xf32>
    %select_n3A_75 = arith.select %eq3A_66, %broadcast_in_dim3A_74, %select_n3A_61 : vector<1024x1024xi1>, vector<1024x1024xf32>
    %reduce_min3A_76 = arith.constant dense<0x7F800000> : vector<1024xf32>
    %reduce_min3A_77 = vector.multi_reduction <minimumf>, %select_n3A_75, %reduce_min3A_76 [1] : vector<1024x1024xf32> to vector<1024xf32>
    %broadcast_in_dim3A_78 = vector.shape_cast %reduce_min3A_77 : vector<1024xf32> to vector<1024x1xf32>
    %eq3A_79 = vector.broadcast %broadcast_in_dim3A_78 : vector<1024x1xf32> to vector<1024x1024xf32>
    %eq3A_80 = arith.cmpf oeq, %select_n3A_75, %eq3A_79 : vector<1024x1024xf32>
    %jit3A_81 = arith.constant 1.024000e+03 : f32
    %broadcast_in_dim3A_82 = vector.broadcast %jit3A_81 : f32 to vector<1024x1024xf32>
    %select_n3A_83 = arith.select %eq3A_80, %convert_element_type3A, %broadcast_in_dim3A_82 : vector<1024x1024xi1>, vector<1024x1024xf32>
    %reduce_min3A_84 = arith.constant dense<0x7F800000> : vector<1024xf32>
    %reduce_min3A_85 = vector.multi_reduction <minimumf>, %select_n3A_83, %reduce_min3A_84 [1] : vector<1024x1024xf32> to vector<1024xf32>
    %broadcast_in_dim3A_86 = vector.shape_cast %reduce_min3A_85 : vector<1024xf32> to vector<1024x1xf32>
    %jit3A_87 = arith.constant 0x7F800000 : f32
    %broadcast_in_dim3A_88 = vector.broadcast %jit3A_87 : f32 to vector<1024x1024xf32>
    %select_n3A_89 = arith.select %eq3A_80, %broadcast_in_dim3A_88, %select_n3A_75 : vector<1024x1024xi1>, vector<1024x1024xf32>
    %reduce_min3A_90 = arith.constant dense<0x7F800000> : vector<1024xf32>
    %reduce_min3A_91 = vector.multi_reduction <minimumf>, %select_n3A_89, %reduce_min3A_90 [1] : vector<1024x1024xf32> to vector<1024xf32>
    %broadcast_in_dim3A_92 = vector.shape_cast %reduce_min3A_91 : vector<1024xf32> to vector<1024x1xf32>
    %eq3A_93 = vector.broadcast %broadcast_in_dim3A_92 : vector<1024x1xf32> to vector<1024x1024xf32>
    %eq3A_94 = arith.cmpf oeq, %select_n3A_89, %eq3A_93 : vector<1024x1024xf32>
    %jit3A_95 = arith.constant 1.024000e+03 : f32
    %broadcast_in_dim3A_96 = vector.broadcast %jit3A_95 : f32 to vector<1024x1024xf32>
    %select_n3A_97 = arith.select %eq3A_94, %convert_element_type3A, %broadcast_in_dim3A_96 : vector<1024x1024xi1>, vector<1024x1024xf32>
    %reduce_min3A_98 = arith.constant dense<0x7F800000> : vector<1024xf32>
    %reduce_min3A_99 = vector.multi_reduction <minimumf>, %select_n3A_97, %reduce_min3A_98 [1] : vector<1024x1024xf32> to vector<1024xf32>
    %broadcast_in_dim3A_100 = vector.shape_cast %reduce_min3A_99 : vector<1024xf32> to vector<1024x1xf32>
    %jit3A_101 = arith.constant 0x7F800000 : f32
    %broadcast_in_dim3A_102 = vector.broadcast %jit3A_101 : f32 to vector<1024x1024xf32>
    %select_n3A_103 = arith.select %eq3A_94, %broadcast_in_dim3A_102, %select_n3A_89 : vector<1024x1024xi1>, vector<1024x1024xf32>
    %reduce_min3A_104 = arith.constant dense<0x7F800000> : vector<1024xf32>
    %reduce_min3A_105 = vector.multi_reduction <minimumf>, %select_n3A_103, %reduce_min3A_104 [1] : vector<1024x1024xf32> to vector<1024xf32>
    %broadcast_in_dim3A_106 = vector.shape_cast %reduce_min3A_105 : vector<1024xf32> to vector<1024x1xf32>
    %eq3A_107 = vector.broadcast %broadcast_in_dim3A_106 : vector<1024x1xf32> to vector<1024x1024xf32>
    %eq3A_108 = arith.cmpf oeq, %select_n3A_103, %eq3A_107 : vector<1024x1024xf32>
    %jit3A_109 = arith.constant 1.024000e+03 : f32
    %broadcast_in_dim3A_110 = vector.broadcast %jit3A_109 : f32 to vector<1024x1024xf32>
    %select_n3A_111 = arith.select %eq3A_108, %convert_element_type3A, %broadcast_in_dim3A_110 : vector<1024x1024xi1>, vector<1024x1024xf32>
    %reduce_min3A_112 = arith.constant dense<0x7F800000> : vector<1024xf32>
    %reduce_min3A_113 = vector.multi_reduction <minimumf>, %select_n3A_111, %reduce_min3A_112 [1] : vector<1024x1024xf32> to vector<1024xf32>
    %broadcast_in_dim3A_114 = vector.shape_cast %reduce_min3A_113 : vector<1024xf32> to vector<1024x1xf32>
    %jit3A_115 = arith.constant 0x7F800000 : f32
    %broadcast_in_dim3A_116 = vector.broadcast %jit3A_115 : f32 to vector<1024x1024xf32>
    %select_n3A_117 = arith.select %eq3A_108, %broadcast_in_dim3A_116, %select_n3A_103 : vector<1024x1024xi1>, vector<1024x1024xf32>
    %reduce_min3A_118 = arith.constant dense<0x7F800000> : vector<1024xf32>
    %reduce_min3A_119 = vector.multi_reduction <minimumf>, %select_n3A_117, %reduce_min3A_118 [1] : vector<1024x1024xf32> to vector<1024xf32>
    %broadcast_in_dim3A_120 = vector.shape_cast %reduce_min3A_119 : vector<1024xf32> to vector<1024x1xf32>
    %eq3A_121 = vector.broadcast %broadcast_in_dim3A_120 : vector<1024x1xf32> to vector<1024x1024xf32>
    %eq3A_122 = arith.cmpf oeq, %select_n3A_117, %eq3A_121 : vector<1024x1024xf32>
    %jit3A_123 = arith.constant 1.024000e+03 : f32
    %broadcast_in_dim3A_124 = vector.broadcast %jit3A_123 : f32 to vector<1024x1024xf32>
    %select_n3A_125 = arith.select %eq3A_122, %convert_element_type3A, %broadcast_in_dim3A_124 : vector<1024x1024xi1>, vector<1024x1024xf32>
    %reduce_min3A_126 = arith.constant dense<0x7F800000> : vector<1024xf32>
    %reduce_min3A_127 = vector.multi_reduction <minimumf>, %select_n3A_125, %reduce_min3A_126 [1] : vector<1024x1024xf32> to vector<1024xf32>
    %broadcast_in_dim3A_128 = vector.shape_cast %reduce_min3A_127 : vector<1024xf32> to vector<1024x1xf32>
    %concatenate3A = tpu.concatenate %broadcast_in_dim3A_16, %broadcast_in_dim3A_30, %broadcast_in_dim3A_44, %broadcast_in_dim3A_58, %broadcast_in_dim3A_72, %broadcast_in_dim3A_86, %broadcast_in_dim3A_100, %broadcast_in_dim3A_114, %broadcast_in_dim3A_128, %broadcast_in_dim3A_16, %broadcast_in_dim3A_16, %broadcast_in_dim3A_16, %broadcast_in_dim3A_16, %broadcast_in_dim3A_16, %broadcast_in_dim3A_16, %broadcast_in_dim3A_16 in 1 : vector<1024x1xf32>, vector<1024x1xf32>, vector<1024x1xf32>, vector<1024x1xf32>, vector<1024x1xf32>, vector<1024x1xf32>, vector<1024x1xf32>, vector<1024x1xf32>, vector<1024x1xf32>, vector<1024x1xf32>, vector<1024x1xf32>, vector<1024x1xf32>, vector<1024x1xf32>, vector<1024x1xf32>, vector<1024x1xf32>, vector<1024x1xf32> -> vector<1024x16xf32>
    %transpose3A = tpu.transpose %concatenate3A, [1, 0] : vector<1024x16xf32> -> vector<16x1024xf32>
    %convert_element_type3A_129 = arith.fptosi %transpose3A : vector<16x1024xf32> to vector<16x1024xi32>
    %mul3A_130 = arith.constant 1024 : i32
    %mul3A_131 = arith.muli %arg0, %mul3A_130 : i32
    %add3A = vector.broadcast %mul3A_131 : i32 to vector<16x1024xi32>
    %add3A_132 = arith.addi %convert_element_type3A_129, %add3A : vector<16x1024xi32>
    %swap3A = arith.constant 0 : index
    %swap3A_133 = arith.constant 0 : index
    %swap3A_134 = vector.load %arg2[%swap3A, %swap3A_133] : memref<16x1024xi32, #tpu.memory_space<vmem>>, vector<16x1024xi32>
    tpu.vector_store %arg2[%swap3A, %swap3A_133], %add3A_132 {strides = array<i32>} : memref<16x1024xi32, #tpu.memory_space<vmem>>, vector<16x1024xi32>,
    %transpose3A_135 = tpu.transpose %get3A_3, [1, 0] : vector<96x1024xf32> -> vector<1024x96xf32>
    %broadcast_in_dim3A_136 = arith.constant 0.000000e+00 : f32
    %broadcast_in_dim3A_137 = vector.broadcast %broadcast_in_dim3A_136 : f32 to vector<1024x32xf32>
    %concatenate3A_138 = tpu.concatenate %transpose3A_135, %broadcast_in_dim3A_137 in 1 : vector<1024x96xf32>, vector<1024x32xf32> -> vector<1024x128xf32>
    %swap3A_139 = arith.constant 0 : index
    %swap3A_140 = arith.constant 0 : index
    %swap3A_141 = vector.load %arg3[%swap3A_139, %swap3A_140] : memref<1024x128xf32, #tpu.memory_space<vmem>>, vector<1024x128xf32>
    tpu.vector_store %arg3[%swap3A_139, %swap3A_140], %concatenate3A_138 {strides = array<i32>} : memref<1024x128xf32, #tpu.memory_space<vmem>>, vector<1024x128xf32>,
    return
  }
  func.func @transform_0(%arg0: i32) -> (i32, i32, i32) {
    %c0_i32 = arith.constant 0 : i32
    %c0_i32_0 = arith.constant 0 : i32
    %c0_i32_1 = arith.constant 0 : i32
    return %arg0, %c0_i32, %c0_i32_0 : i32, i32, i32
  }
  func.func @transform_1(%arg0: i32) -> (i32, i32) {
    %c0_i32 = arith.constant 0 : i32
    %c0_i32_0 = arith.constant 0 : i32
    return %c0_i32, %arg0 : i32, i32
  }
  func.func @transform_2(%arg0: i32) -> (i32, i32) {
    %c0_i32 = arith.constant 0 : i32
    %c0_i32_0 = arith.constant 0 : i32
    return %arg0, %c0_i32 : i32, i32
  }
}

module attributes {stable_mosaic.version = 14 : i64} {
  func.func @_tc_finish(%arg0: i32, %arg1: memref<1x1024x128xf32, #tpu.memory_space<vmem>>, %arg2: memref<4x96x1024xf32, #tpu.memory_space<vmem>>, %arg3: memref<1x96x1024xf32, #tpu.memory_space<vmem>>, %arg4: memref<96x96xf32, #tpu.memory_space<vmem>>, %arg5: memref<96x1xf32, #tpu.memory_space<vmem>>, %arg6: memref<96x1xf32, #tpu.memory_space<vmem>>, %arg7: memref<96x1xf32, #tpu.memory_space<vmem>>, %arg8: memref<4x96x1024xf32, #tpu.memory_space<vmem>>, %arg9: memref<4x96x1024xf32, #tpu.memory_space<vmem>>) attributes {dimension_semantics = [#tpu.dimension_semantics<arbitrary>], iteration_bounds = array<i64: 4>, scalar_prefetch = 0 : i64, scratch_operands = 1 : i64, tpu.core_type = #tpu.core_type<tc>, window_params = [{transform_indices = @transform_0, window_bounds = array<i64: 1, 1024, 128>}, {pipeline_mode = #tpu.pipeline_mode<synchronous>, transform_indices = @transform_1, window_bounds = array<i64: 4, 96, 1024>}, {transform_indices = @transform_2, window_bounds = array<i64: 1, 96, 1024>}, {pipeline_mode = #tpu.pipeline_mode<synchronous>, transform_indices = @transform_3, window_bounds = array<i64: 96, 96>}, {pipeline_mode = #tpu.pipeline_mode<synchronous>, transform_indices = @transform_4, window_bounds = array<i64: 96, 1>}, {pipeline_mode = #tpu.pipeline_mode<synchronous>, transform_indices = @transform_5, window_bounds = array<i64: 96, 1>}, {pipeline_mode = #tpu.pipeline_mode<synchronous>, transform_indices = @transform_6, window_bounds = array<i64: 96, 1>}, {pipeline_mode = #tpu.pipeline_mode<synchronous>, transform_indices = @transform_7, window_bounds = array<i64: 4, 96, 1024>}]} {
    %get3A = arith.constant 0 : index
    %get3A_0 = arith.constant 0 : index
    %get3A_1 = arith.constant 0 : index
    %get3A_2 = vector.load %arg1[%get3A, %get3A_0, %get3A_1] : memref<1x1024x128xf32, #tpu.memory_space<vmem>>, vector<1x1024x128xf32>
    %get3A_3 = vector.shape_cast %get3A_2 : vector<1x1024x128xf32> to vector<1024x128xf32>
    %transpose3A = tpu.transpose %get3A_3, [1, 0] : vector<1024x128xf32> -> vector<128x1024xf32>
    %slice3A = vector.extract_strided_slice %transpose3A {offsets = [0, 0], sizes = [96, 1024], strides = [1, 1]} : vector<128x1024xf32> to vector<96x1024xf32>
    %mul3A = arith.constant 1.000000e-01 : f32
    %mul3A_4 = vector.broadcast %mul3A : f32 to vector<96x1024xf32>
    %mul3A_5 = arith.mulf %mul3A_4, %slice3A : vector<96x1024xf32>
    %get3A_6 = arith.constant 0 : index
    %get3A_7 = arith.constant 0 : index
    %get3A_8 = arith.constant 0 : index
    %get3A_9 = vector.load %arg3[%get3A_6, %get3A_7, %get3A_8] : memref<1x96x1024xf32, #tpu.memory_space<vmem>>, vector<1x96x1024xf32>
    %get3A_10 = vector.shape_cast %get3A_9 : vector<1x96x1024xf32> to vector<96x1024xf32>
    %mul3A_11 = arith.constant 1.000000e-01 : f32
    %mul3A_12 = vector.broadcast %mul3A_11 : f32 to vector<96x1024xf32>
    %mul3A_13 = arith.mulf %mul3A_12, %get3A_10 : vector<96x1024xf32>
    %add3A = arith.addf %mul3A_5, %mul3A_13 : vector<96x1024xf32>
    %get3A_14 = arith.constant 0 : index
    %get3A_15 = arith.constant 0 : index
    %get3A_16 = vector.load %arg4[%get3A_14, %get3A_15] : memref<96x96xf32, #tpu.memory_space<vmem>>, vector<96x96xf32>
    %dot_general3A = arith.constant dense<0.000000e+00> : vector<96x1024xf32>
    %dot_general3A_17 = tpu.matmul %get3A_16, %add3A, %dot_general3A {dimension_numbers = #tpu.dot_dimension_numbers<[1], [0], [0], [1], [0, 0, 1, 1], [], []>, transpose_lhs_hint = false} : vector<96x96xf32>, vector<96x1024xf32>, vector<96x1024xf32> -> vector<96x1024xf32>
    %get3A_18 = arith.constant 0 : index
    %get3A_19 = arith.constant 0 : index
    %get3A_20 = vector.load %arg5[%get3A_18, %get3A_19] : memref<96x1xf32, #tpu.memory_space<vmem>>, vector<96x1xf32>
    %add3A_21 = vector.broadcast %get3A_20 : vector<96x1xf32> to vector<96x1024xf32>
    %add3A_22 = arith.addf %dot_general3A_17, %add3A_21 : vector<96x1024xf32>
    %mul3A_23 = arith.constant 5.000000e-01 : f32
    %mul3A_24 = vector.broadcast %mul3A_23 : f32 to vector<96x1024xf32>
    %mul3A_25 = arith.mulf %mul3A_24, %add3A : vector<96x1024xf32>
    %mul3A_26 = arith.constant 5.000000e-01 : f32
    %mul3A_27 = vector.broadcast %mul3A_26 : f32 to vector<96x1024xf32>
    %mul3A_28 = arith.mulf %mul3A_27, %add3A_22 : vector<96x1024xf32>
    %add3A_29 = arith.addf %mul3A_25, %mul3A_28 : vector<96x1024xf32>
    %swap3A = arith.index_cast %arg0 : i32 to index
    %swap3A_30 = arith.constant 0 : index
    %swap3A_31 = arith.constant 0 : index
    %swap3A_32 = vector.load %arg9[%swap3A, %swap3A_30, %swap3A_31] : memref<4x96x1024xf32, #tpu.memory_space<vmem>>, vector<1x96x1024xf32>
    %swap3A_33 = vector.shape_cast %swap3A_32 : vector<1x96x1024xf32> to vector<96x1024xf32>
    %swap3A_34 = vector.shape_cast %add3A_29 : vector<96x1024xf32> to vector<1x96x1024xf32>
    tpu.vector_store %arg9[%swap3A, %swap3A_30, %swap3A_31], %swap3A_34 {strides = array<i32>} : memref<4x96x1024xf32, #tpu.memory_space<vmem>>, vector<1x96x1024xf32>,
    %eq3A = arith.constant 3 : i32
    %eq3A_35 = arith.cmpi eq, %arg0, %eq3A : i32
    %convert_element_type3A = arith.extui %eq3A_35 : i1 to i32
    %cond3A = arith.constant 0 : i32
    %cond3A_36 = arith.cmpi ne, %convert_element_type3A, %cond3A : i32
    scf.if %cond3A_36 {
      %get3A_37 = arith.constant 0 : index
      %get3A_38 = arith.constant 0 : index
      %get3A_39 = arith.constant 0 : index
      %get3A_40 = vector.load %arg9[%get3A_37, %get3A_38, %get3A_39] : memref<4x96x1024xf32, #tpu.memory_space<vmem>>, vector<1x96x1024xf32>
      %get3A_41 = vector.shape_cast %get3A_40 : vector<1x96x1024xf32> to vector<96x1024xf32>
      %get3A_42 = arith.constant 1 : index
      %get3A_43 = arith.constant 0 : index
      %get3A_44 = arith.constant 0 : index
      %get3A_45 = vector.load %arg9[%get3A_42, %get3A_43, %get3A_44] : memref<4x96x1024xf32, #tpu.memory_space<vmem>>, vector<1x96x1024xf32>
      %get3A_46 = vector.shape_cast %get3A_45 : vector<1x96x1024xf32> to vector<96x1024xf32>
      %add3A_47 = arith.addf %get3A_41, %get3A_46 : vector<96x1024xf32>
      %get3A_48 = arith.constant 2 : index
      %get3A_49 = arith.constant 0 : index
      %get3A_50 = arith.constant 0 : index
      %get3A_51 = vector.load %arg9[%get3A_48, %get3A_49, %get3A_50] : memref<4x96x1024xf32, #tpu.memory_space<vmem>>, vector<1x96x1024xf32>
      %get3A_52 = vector.shape_cast %get3A_51 : vector<1x96x1024xf32> to vector<96x1024xf32>
      %add3A_53 = arith.addf %add3A_47, %get3A_52 : vector<96x1024xf32>
      %get3A_54 = arith.constant 3 : index
      %get3A_55 = arith.constant 0 : index
      %get3A_56 = arith.constant 0 : index
      %get3A_57 = vector.load %arg9[%get3A_54, %get3A_55, %get3A_56] : memref<4x96x1024xf32, #tpu.memory_space<vmem>>, vector<1x96x1024xf32>
      %get3A_58 = vector.shape_cast %get3A_57 : vector<1x96x1024xf32> to vector<96x1024xf32>
      %add3A_59 = arith.addf %add3A_53, %get3A_58 : vector<96x1024xf32>
      %reduce_sum3A = arith.constant dense<0.000000e+00> : vector<96xf32>
      %reduce_sum3A_60 = vector.multi_reduction <add>, %add3A_59, %reduce_sum3A [1] : vector<96x1024xf32> to vector<96xf32>
      %broadcast_in_dim3A = vector.shape_cast %reduce_sum3A_60 : vector<96xf32> to vector<96x1xf32>
      %mul3A_61 = arith.constant 2.44140625E-4 : f32
      %mul3A_62 = vector.broadcast %mul3A_61 : f32 to vector<96x1xf32>
      %mul3A_63 = arith.mulf %broadcast_in_dim3A, %mul3A_62 : vector<96x1xf32>
      %broadcast_in_dim3A_64 = arith.constant 0.000000e+00 : f32
      %broadcast_in_dim3A_65 = vector.broadcast %broadcast_in_dim3A_64 : f32 to vector<96x1xf32>
      %get3A_66 = arith.constant 0 : index
      %get3A_67 = arith.constant 0 : index
      %get3A_68 = arith.constant 0 : index
      %get3A_69 = vector.load %arg9[%get3A_66, %get3A_67, %get3A_68] : memref<4x96x1024xf32, #tpu.memory_space<vmem>>, vector<1x96x1024xf32>
      %get3A_70 = vector.shape_cast %get3A_69 : vector<1x96x1024xf32> to vector<96x1024xf32>
      %sub3A = vector.broadcast %mul3A_63 : vector<96x1xf32> to vector<96x1024xf32>
      %sub3A_71 = arith.subf %get3A_70, %sub3A : vector<96x1024xf32>
      %mul3A_72 = arith.mulf %sub3A_71, %sub3A_71 : vector<96x1024xf32>
      %reduce_sum3A_73 = arith.constant dense<0.000000e+00> : vector<96xf32>
      %reduce_sum3A_74 = vector.multi_reduction <add>, %mul3A_72, %reduce_sum3A_73 [1] : vector<96x1024xf32> to vector<96xf32>
      %broadcast_in_dim3A_75 = vector.shape_cast %reduce_sum3A_74 : vector<96xf32> to vector<96x1xf32>
      %add3A_76 = arith.addf %broadcast_in_dim3A_65, %broadcast_in_dim3A_75 : vector<96x1xf32>
      %get3A_77 = arith.constant 1 : index
      %get3A_78 = arith.constant 0 : index
      %get3A_79 = arith.constant 0 : index
      %get3A_80 = vector.load %arg9[%get3A_77, %get3A_78, %get3A_79] : memref<4x96x1024xf32, #tpu.memory_space<vmem>>, vector<1x96x1024xf32>
      %get3A_81 = vector.shape_cast %get3A_80 : vector<1x96x1024xf32> to vector<96x1024xf32>
      %sub3A_82 = vector.broadcast %mul3A_63 : vector<96x1xf32> to vector<96x1024xf32>
      %sub3A_83 = arith.subf %get3A_81, %sub3A_82 : vector<96x1024xf32>
      %mul3A_84 = arith.mulf %sub3A_83, %sub3A_83 : vector<96x1024xf32>
      %reduce_sum3A_85 = arith.constant dense<0.000000e+00> : vector<96xf32>
      %reduce_sum3A_86 = vector.multi_reduction <add>, %mul3A_84, %reduce_sum3A_85 [1] : vector<96x1024xf32> to vector<96xf32>
      %broadcast_in_dim3A_87 = vector.shape_cast %reduce_sum3A_86 : vector<96xf32> to vector<96x1xf32>
      %add3A_88 = arith.addf %add3A_76, %broadcast_in_dim3A_87 : vector<96x1xf32>
      %get3A_89 = arith.constant 2 : index
      %get3A_90 = arith.constant 0 : index
      %get3A_91 = arith.constant 0 : index
      %get3A_92 = vector.load %arg9[%get3A_89, %get3A_90, %get3A_91] : memref<4x96x1024xf32, #tpu.memory_space<vmem>>, vector<1x96x1024xf32>
      %get3A_93 = vector.shape_cast %get3A_92 : vector<1x96x1024xf32> to vector<96x1024xf32>
      %sub3A_94 = vector.broadcast %mul3A_63 : vector<96x1xf32> to vector<96x1024xf32>
      %sub3A_95 = arith.subf %get3A_93, %sub3A_94 : vector<96x1024xf32>
      %mul3A_96 = arith.mulf %sub3A_95, %sub3A_95 : vector<96x1024xf32>
      %reduce_sum3A_97 = arith.constant dense<0.000000e+00> : vector<96xf32>
      %reduce_sum3A_98 = vector.multi_reduction <add>, %mul3A_96, %reduce_sum3A_97 [1] : vector<96x1024xf32> to vector<96xf32>
      %broadcast_in_dim3A_99 = vector.shape_cast %reduce_sum3A_98 : vector<96xf32> to vector<96x1xf32>
      %add3A_100 = arith.addf %add3A_88, %broadcast_in_dim3A_99 : vector<96x1xf32>
      %get3A_101 = arith.constant 3 : index
      %get3A_102 = arith.constant 0 : index
      %get3A_103 = arith.constant 0 : index
      %get3A_104 = vector.load %arg9[%get3A_101, %get3A_102, %get3A_103] : memref<4x96x1024xf32, #tpu.memory_space<vmem>>, vector<1x96x1024xf32>
      %get3A_105 = vector.shape_cast %get3A_104 : vector<1x96x1024xf32> to vector<96x1024xf32>
      %sub3A_106 = vector.broadcast %mul3A_63 : vector<96x1xf32> to vector<96x1024xf32>
      %sub3A_107 = arith.subf %get3A_105, %sub3A_106 : vector<96x1024xf32>
      %mul3A_108 = arith.mulf %sub3A_107, %sub3A_107 : vector<96x1024xf32>
      %reduce_sum3A_109 = arith.constant dense<0.000000e+00> : vector<96xf32>
      %reduce_sum3A_110 = vector.multi_reduction <add>, %mul3A_108, %reduce_sum3A_109 [1] : vector<96x1024xf32> to vector<96xf32>
      %broadcast_in_dim3A_111 = vector.shape_cast %reduce_sum3A_110 : vector<96xf32> to vector<96x1xf32>
      %add3A_112 = arith.addf %add3A_100, %broadcast_in_dim3A_111 : vector<96x1xf32>
      %mul3A_113 = arith.constant 2.44140625E-4 : f32
      %mul3A_114 = vector.broadcast %mul3A_113 : f32 to vector<96x1xf32>
      %mul3A_115 = arith.mulf %add3A_112, %mul3A_114 : vector<96x1xf32>
      %get3A_116 = arith.constant 0 : index
      %get3A_117 = arith.constant 0 : index
      %get3A_118 = vector.load %arg6[%get3A_116, %get3A_117] : memref<96x1xf32, #tpu.memory_space<vmem>>, vector<96x1xf32>
      %add3A_119 = arith.constant 9.99999974E-6 : f32
      %add3A_120 = vector.broadcast %add3A_119 : f32 to vector<96x1xf32>
      %add3A_121 = arith.addf %mul3A_115, %add3A_120 : vector<96x1xf32>
      %rsqrt3A = math.rsqrt %add3A_121 : vector<96x1xf32>
      %mul3A_122 = arith.mulf %get3A_118, %rsqrt3A : vector<96x1xf32>
      %get3A_123 = arith.constant 0 : index
      %get3A_124 = arith.constant 0 : index
      %get3A_125 = vector.load %arg7[%get3A_123, %get3A_124] : memref<96x1xf32, #tpu.memory_space<vmem>>, vector<96x1xf32>
      %mul3A_126 = arith.mulf %mul3A_63, %mul3A_122 : vector<96x1xf32>
      %sub3A_127 = arith.subf %get3A_125, %mul3A_126 : vector<96x1xf32>
      %get3A_128 = arith.constant 0 : index
      %get3A_129 = arith.constant 0 : index
      %get3A_130 = arith.constant 0 : index
      %get3A_131 = vector.load %arg9[%get3A_128, %get3A_129, %get3A_130] : memref<4x96x1024xf32, #tpu.memory_space<vmem>>, vector<1x96x1024xf32>
      %get3A_132 = vector.shape_cast %get3A_131 : vector<1x96x1024xf32> to vector<96x1024xf32>
      %mul3A_133 = vector.broadcast %mul3A_122 : vector<96x1xf32> to vector<96x1024xf32>
      %mul3A_134 = arith.mulf %get3A_132, %mul3A_133 : vector<96x1024xf32>
      %add3A_135 = vector.broadcast %sub3A_127 : vector<96x1xf32> to vector<96x1024xf32>
      %add3A_136 = arith.addf %mul3A_134, %add3A_135 : vector<96x1024xf32>
      %get3A_137 = arith.constant 0 : index
      %get3A_138 = arith.constant 0 : index
      %get3A_139 = arith.constant 0 : index
      %get3A_140 = vector.load %arg2[%get3A_137, %get3A_138, %get3A_139] : memref<4x96x1024xf32, #tpu.memory_space<vmem>>, vector<1x96x1024xf32>
      %get3A_141 = vector.shape_cast %get3A_140 : vector<1x96x1024xf32> to vector<96x1024xf32>
      %add3A_142 = arith.addf %add3A_136, %get3A_141 : vector<96x1024xf32>
      %max3A = arith.constant 0.000000e+00 : f32
      %max3A_143 = vector.broadcast %max3A : f32 to vector<96x1024xf32>
      %max3A_144 = arith.maximumf %add3A_142, %max3A_143 : vector<96x1024xf32>
      %swap3A_145 = arith.constant 0 : index
      %swap3A_146 = arith.constant 0 : index
      %swap3A_147 = arith.constant 0 : index
      %swap3A_148 = vector.load %arg8[%swap3A_145, %swap3A_146, %swap3A_147] : memref<4x96x1024xf32, #tpu.memory_space<vmem>>, vector<1x96x1024xf32>
      %swap3A_149 = vector.shape_cast %swap3A_148 : vector<1x96x1024xf32> to vector<96x1024xf32>
      %swap3A_150 = vector.shape_cast %max3A_144 : vector<96x1024xf32> to vector<1x96x1024xf32>
      tpu.vector_store %arg8[%swap3A_145, %swap3A_146, %swap3A_147], %swap3A_150 {strides = array<i32>} : memref<4x96x1024xf32, #tpu.memory_space<vmem>>, vector<1x96x1024xf32>,
      %get3A_151 = arith.constant 1 : index
      %get3A_152 = arith.constant 0 : index
      %get3A_153 = arith.constant 0 : index
      %get3A_154 = vector.load %arg9[%get3A_151, %get3A_152, %get3A_153] : memref<4x96x1024xf32, #tpu.memory_space<vmem>>, vector<1x96x1024xf32>
      %get3A_155 = vector.shape_cast %get3A_154 : vector<1x96x1024xf32> to vector<96x1024xf32>
      %mul3A_156 = vector.broadcast %mul3A_122 : vector<96x1xf32> to vector<96x1024xf32>
      %mul3A_157 = arith.mulf %get3A_155, %mul3A_156 : vector<96x1024xf32>
      %add3A_158 = vector.broadcast %sub3A_127 : vector<96x1xf32> to vector<96x1024xf32>
      %add3A_159 = arith.addf %mul3A_157, %add3A_158 : vector<96x1024xf32>
      %get3A_160 = arith.constant 1 : index
      %get3A_161 = arith.constant 0 : index
      %get3A_162 = arith.constant 0 : index
      %get3A_163 = vector.load %arg2[%get3A_160, %get3A_161, %get3A_162] : memref<4x96x1024xf32, #tpu.memory_space<vmem>>, vector<1x96x1024xf32>
      %get3A_164 = vector.shape_cast %get3A_163 : vector<1x96x1024xf32> to vector<96x1024xf32>
      %add3A_165 = arith.addf %add3A_159, %get3A_164 : vector<96x1024xf32>
      %max3A_166 = arith.constant 0.000000e+00 : f32
      %max3A_167 = vector.broadcast %max3A_166 : f32 to vector<96x1024xf32>
      %max3A_168 = arith.maximumf %add3A_165, %max3A_167 : vector<96x1024xf32>
      %swap3A_169 = arith.constant 1 : index
      %swap3A_170 = arith.constant 0 : index
      %swap3A_171 = arith.constant 0 : index
      %swap3A_172 = vector.load %arg8[%swap3A_169, %swap3A_170, %swap3A_171] : memref<4x96x1024xf32, #tpu.memory_space<vmem>>, vector<1x96x1024xf32>
      %swap3A_173 = vector.shape_cast %swap3A_172 : vector<1x96x1024xf32> to vector<96x1024xf32>
      %swap3A_174 = vector.shape_cast %max3A_168 : vector<96x1024xf32> to vector<1x96x1024xf32>
      tpu.vector_store %arg8[%swap3A_169, %swap3A_170, %swap3A_171], %swap3A_174 {strides = array<i32>} : memref<4x96x1024xf32, #tpu.memory_space<vmem>>, vector<1x96x1024xf32>,
      %get3A_175 = arith.constant 2 : index
      %get3A_176 = arith.constant 0 : index
      %get3A_177 = arith.constant 0 : index
      %get3A_178 = vector.load %arg9[%get3A_175, %get3A_176, %get3A_177] : memref<4x96x1024xf32, #tpu.memory_space<vmem>>, vector<1x96x1024xf32>
      %get3A_179 = vector.shape_cast %get3A_178 : vector<1x96x1024xf32> to vector<96x1024xf32>
      %mul3A_180 = vector.broadcast %mul3A_122 : vector<96x1xf32> to vector<96x1024xf32>
      %mul3A_181 = arith.mulf %get3A_179, %mul3A_180 : vector<96x1024xf32>
      %add3A_182 = vector.broadcast %sub3A_127 : vector<96x1xf32> to vector<96x1024xf32>
      %add3A_183 = arith.addf %mul3A_181, %add3A_182 : vector<96x1024xf32>
      %get3A_184 = arith.constant 2 : index
      %get3A_185 = arith.constant 0 : index
      %get3A_186 = arith.constant 0 : index
      %get3A_187 = vector.load %arg2[%get3A_184, %get3A_185, %get3A_186] : memref<4x96x1024xf32, #tpu.memory_space<vmem>>, vector<1x96x1024xf32>
      %get3A_188 = vector.shape_cast %get3A_187 : vector<1x96x1024xf32> to vector<96x1024xf32>
      %add3A_189 = arith.addf %add3A_183, %get3A_188 : vector<96x1024xf32>
      %max3A_190 = arith.constant 0.000000e+00 : f32
      %max3A_191 = vector.broadcast %max3A_190 : f32 to vector<96x1024xf32>
      %max3A_192 = arith.maximumf %add3A_189, %max3A_191 : vector<96x1024xf32>
      %swap3A_193 = arith.constant 2 : index
      %swap3A_194 = arith.constant 0 : index
      %swap3A_195 = arith.constant 0 : index
      %swap3A_196 = vector.load %arg8[%swap3A_193, %swap3A_194, %swap3A_195] : memref<4x96x1024xf32, #tpu.memory_space<vmem>>, vector<1x96x1024xf32>
      %swap3A_197 = vector.shape_cast %swap3A_196 : vector<1x96x1024xf32> to vector<96x1024xf32>
      %swap3A_198 = vector.shape_cast %max3A_192 : vector<96x1024xf32> to vector<1x96x1024xf32>
      tpu.vector_store %arg8[%swap3A_193, %swap3A_194, %swap3A_195], %swap3A_198 {strides = array<i32>} : memref<4x96x1024xf32, #tpu.memory_space<vmem>>, vector<1x96x1024xf32>,
      %get3A_199 = arith.constant 3 : index
      %get3A_200 = arith.constant 0 : index
      %get3A_201 = arith.constant 0 : index
      %get3A_202 = vector.load %arg9[%get3A_199, %get3A_200, %get3A_201] : memref<4x96x1024xf32, #tpu.memory_space<vmem>>, vector<1x96x1024xf32>
      %get3A_203 = vector.shape_cast %get3A_202 : vector<1x96x1024xf32> to vector<96x1024xf32>
      %mul3A_204 = vector.broadcast %mul3A_122 : vector<96x1xf32> to vector<96x1024xf32>
      %mul3A_205 = arith.mulf %get3A_203, %mul3A_204 : vector<96x1024xf32>
      %add3A_206 = vector.broadcast %sub3A_127 : vector<96x1xf32> to vector<96x1024xf32>
      %add3A_207 = arith.addf %mul3A_205, %add3A_206 : vector<96x1024xf32>
      %get3A_208 = arith.constant 3 : index
      %get3A_209 = arith.constant 0 : index
      %get3A_210 = arith.constant 0 : index
      %get3A_211 = vector.load %arg2[%get3A_208, %get3A_209, %get3A_210] : memref<4x96x1024xf32, #tpu.memory_space<vmem>>, vector<1x96x1024xf32>
      %get3A_212 = vector.shape_cast %get3A_211 : vector<1x96x1024xf32> to vector<96x1024xf32>
      %add3A_213 = arith.addf %add3A_207, %get3A_212 : vector<96x1024xf32>
      %max3A_214 = arith.constant 0.000000e+00 : f32
      %max3A_215 = vector.broadcast %max3A_214 : f32 to vector<96x1024xf32>
      %max3A_216 = arith.maximumf %add3A_213, %max3A_215 : vector<96x1024xf32>
      %swap3A_217 = arith.constant 3 : index
      %swap3A_218 = arith.constant 0 : index
      %swap3A_219 = arith.constant 0 : index
      %swap3A_220 = vector.load %arg8[%swap3A_217, %swap3A_218, %swap3A_219] : memref<4x96x1024xf32, #tpu.memory_space<vmem>>, vector<1x96x1024xf32>
      %swap3A_221 = vector.shape_cast %swap3A_220 : vector<1x96x1024xf32> to vector<96x1024xf32>
      %swap3A_222 = vector.shape_cast %max3A_216 : vector<96x1024xf32> to vector<1x96x1024xf32>
      tpu.vector_store %arg8[%swap3A_217, %swap3A_218, %swap3A_219], %swap3A_222 {strides = array<i32>} : memref<4x96x1024xf32, #tpu.memory_space<vmem>>, vector<1x96x1024xf32>,
    } else {
    }
    return
  }
  func.func @transform_0(%arg0: i32) -> (i32, i32, i32) {
    %c0_i32 = arith.constant 0 : i32
    %c0_i32_0 = arith.constant 0 : i32
    %c0_i32_1 = arith.constant 0 : i32
    return %arg0, %c0_i32, %c0_i32_0 : i32, i32, i32
  }
  func.func @transform_1(%arg0: i32) -> (i32, i32, i32) {
    %c0_i32 = arith.constant 0 : i32
    %c0_i32_0 = arith.constant 0 : i32
    %c0_i32_1 = arith.constant 0 : i32
    %c0_i32_2 = arith.constant 0 : i32
    return %c0_i32, %c0_i32_0, %c0_i32_1 : i32, i32, i32
  }
  func.func @transform_2(%arg0: i32) -> (i32, i32, i32) {
    %c0_i32 = arith.constant 0 : i32
    %c0_i32_0 = arith.constant 0 : i32
    %c0_i32_1 = arith.constant 0 : i32
    return %arg0, %c0_i32, %c0_i32_0 : i32, i32, i32
  }
  func.func @transform_3(%arg0: i32) -> (i32, i32) {
    %c0_i32 = arith.constant 0 : i32
    %c0_i32_0 = arith.constant 0 : i32
    %c0_i32_1 = arith.constant 0 : i32
    return %c0_i32, %c0_i32_0 : i32, i32
  }
  func.func @transform_4(%arg0: i32) -> (i32, i32) {
    %c0_i32 = arith.constant 0 : i32
    %c0_i32_0 = arith.constant 0 : i32
    %c0_i32_1 = arith.constant 0 : i32
    return %c0_i32, %c0_i32_0 : i32, i32
  }
  func.func @transform_5(%arg0: i32) -> (i32, i32) {
    %c0_i32 = arith.constant 0 : i32
    %c0_i32_0 = arith.constant 0 : i32
    %c0_i32_1 = arith.constant 0 : i32
    return %c0_i32, %c0_i32_0 : i32, i32
  }
  func.func @transform_6(%arg0: i32) -> (i32, i32) {
    %c0_i32 = arith.constant 0 : i32
    %c0_i32_0 = arith.constant 0 : i32
    %c0_i32_1 = arith.constant 0 : i32
    return %c0_i32, %c0_i32_0 : i32, i32
  }
  func.func @transform_7(%arg0: i32) -> (i32, i32, i32) {
    %c0_i32 = arith.constant 0 : i32
    %c0_i32_0 = arith.constant 0 : i32
    %c0_i32_1 = arith.constant 0 : i32
    %c0_i32_2 = arith.constant 0 : i32
    return %c0_i32, %c0_i32_0, %c0_i32_1 : i32, i32, i32
  }
}

</mosaic_0001>

<sc_bundles>
// kernel: kernel.5.cloned.1.call-start
scs
__scs_entry_jumppad:
0x0: {  	(pc) =	sbr.rel $0x88, $3  }
0x1: {  	(tag) =	ssettag $0x0;
	lr =	simm.s32 $0x1  }
0x2: {  	[smem:$0x3F9B] =	sst lr;
	_ =	strace $0xD0000000  }
0x3: {  	_ = 	snop  }
0x4: {  	_ = 	snop  }
0x5: {  	_ = 	snop  }
0x6: {  	_ = 	snop  }
0x7: {  	_ = 	snop  }
__scs_overlays_trampoline_lowered:
0x8: {  	[smem:$0x3FAA] =	sst s0  }
0x9: {  	[smem:$0x3FAB] =	sst s1  }
0xa: {  	[smem:$0x3FAC] =	sst s2  }
0xb: {  	[smem:$0x3FAD] =	sst s3  }
0xc: {  	[smem:$0x3FAE] =	sst s4  }
0xd: {  	[smem:$0x3FAF] =	sst s5  }
0xe: {  	[smem:$0x3FB0] =	sst s6  }
0xf: {  	[smem:$0x3FB1] =	sst s7  }
0x10: {  	[smem:$0x3FB2] =	sst s8  }
0x11: {  	[smem:$0x3FB3] =	sst s9;
	s0 =	simm.s32 @!p0 $0x0  }
0x12: {  	s1 =	sld [smem:$0x3F99];
	s0 =	simm.s32 @p0 $0x1  }
0x13: {  	[smem:$0x3FB4] =	sst s0;
	s0 =	simm.s32 @!p1 $0x0  }
0x14: {  	s2 =	sld [smem:$0x3F98];
	s0 =	simm.s32 @p1 $0x1  }
0x15: {  	[smem:$0x3FB5] =	sst s0;
	s0 =	simm.s32 @!p2 $0x0  }
0x16: {  	s3 =	sld [smem:$0x3FDB];
	s0 =	simm.s32 @p2 $0x1  }
0x17: {  	s4 =	simm.s32 $0x1BF5;
	[smem:$0x3FB7] =	sst s0  }
0x18: {  	s0 =	sld [smem:$0x3F9A];
	_ =	swait.ge [sflag:s4], $0x0  }
0x19: {  	s7 =	sld [smem:$0x3F9B]  }
0x1a: {  	s8 =	sadd.s32 $0xFFFFE003, lr  }
0x1b: {  	s9 =	sadd.s32 $0xFFFFFEF7, lr;
	s5 =	simm.s32 $0xFFFFFFFF;
	p2 =	slt.u32 s8, $0xFFFFF086  }
0x1c: {  	p1 =	slt.u32 s9, $0xF7A;
	s5 =	simm.s32 @!p2 $0x0  }
0x1d: {  	s5 =	simm.s32 @p1 $0x1;
	p0 =	seq.s32 s7, s2  }
0x1e: {  	s7 =	smul.u32 @!p0 $0xF7A, s2;
	p2 =	seq.s32 @!p0 s5, $0x0  }
0x1f: {  	s9 =	smul.u32 $0xF7A, s1;
	s8 =	simm.s32 @!p0 $0x1BF5;
	p2 =	por !p2, p0  }
0x20: {  	[sflag:s8] =	ssyncset.s32 @!p0 $0xFFFFF086;
	s6 =	sadd.s32 @!p0 s3, s7;
	s7 =	simm.s32 @!p0 $0x108  }
0x21: {  	s3 =	sadd.s32 s3, s9;
	s6 =	sadd.s32 @!p0 $0x88, s6;
	s7 =	simm.s32 @p2 $0x1082  }
0x22: {  	[simem:s7], [sflag:s8] =	dma.local @!p0 [hbm:s6], $0xF7A  }
0x23: {  	s9 =	sor.u32 $0xD0000000, s2;
	s6 =	simm.s32 $0x108;
	_ =	swait.ge @!p0 [sflag:s8], $0x0  }
0x24: {  	s3 =	sadd.s32 $0x88, s3;
	s6 =	simm.s32 @!p1 $0x1082;
	[sflag:s4] =	ssyncset.s32 $0xFFFFF086  }
0x25: {  	[simem:s6], [sflag:s4] =	dma.local [hbm:s3], $0xF7A  }
0x26: {  	[smem:$0x3F9B] =	sst s1;
	(tag) =	ssettag s2;
	_ =	strace s9  }
0x27: {  	s1 =	sld [smem:$0x3FAB]  }
0x28: {  	s2 =	sld [smem:$0x3FAC]  }
0x29: {  	s4 =	sld [smem:$0x3FAE]  }
0x2a: {  	p0 =	seq.s32 s5, $0x0;
	s5 =	sld [smem:$0x3FAF]  }
0x2b: {  	s6 =	sld [smem:$0x3FB0]  }
0x2c: {  	s7 =	sld [smem:$0x3FB1]  }
0x2d: {  	s3 =	simm.s32 $0x108;
	s8 =	sld [smem:$0x3FB2]  }
0x2e: {  	s3 =	simm.s32 @!p0 $0x1082;
	s9 =	sld [smem:$0x3FB3]  }
0x2f: {  	lr =	sadd.s32 s0, s3;
	s0 =	sld [smem:$0x3FAA]  }
0x30: {  	s3 =	sld [smem:$0x3FAD]  }
0x31: {  	[smem:$0x3FB6] =	sst s10  }
0x32: {  	s10 =	sld [smem:$0x3FB4];
	_ =	sdelay $0x3  }
0x33: {  	p0 =	seq.s32 s10, $0x1;
	s10 =	sld [smem:$0x3FB6];
	_ =	sdelay $0x3  }
0x34: {  	[smem:$0x3FB6] =	sst s10  }
0x35: {  	s10 =	sld [smem:$0x3FB5];
	_ =	sdelay $0x3  }
0x36: {  	p1 =	seq.s32 s10, $0x1;
	s10 =	sld [smem:$0x3FB6];
	_ =	sdelay $0x3  }
0x37: {  	[smem:$0x3FB6] =	sst s10  }
0x38: {  	s10 =	sld [smem:$0x3FB7]  }
0x39: {  	_ = 	snop;
	(pc) =	sbr.ind lr, $3  }
0x3a: {  	_ = 	snop  }
0x3b: {  	_ = 	snop  }
0x3c: {  	p2 =	seq.s32 s10, $0x1;
	s10 =	sld [smem:$0x3FB6]  }
0x3d: {  	_ =	shalt  }
0x3e: {  	_ =	shalt  }
0x3f: {  	_ =	shalt  }
0x40: {  	_ =	shalt  }
0x41: {  	_ =	shalt  }
0x42: {  	_ =	shalt  }
0x43: {  	_ =	shalt  }
0x44: {  	_ =	shalt  }
0x45: {  	_ =	shalt  }
0x46: {  	_ =	shalt  }
0x47: {  	_ =	shalt  }
0x48: {  	_ =	shalt  }
0x49: {  	_ =	shalt  }
0x4a: {  	_ =	shalt  }
0x4b: {  	_ =	shalt  }
0x4c: {  	_ =	shalt  }
0x4d: {  	_ =	shalt  }
0x4e: {  	_ =	shalt  }
0x4f: {  	_ =	shalt  }
0x50: {  	_ =	shalt  }
0x51: {  	_ =	shalt  }
0x52: {  	_ =	shalt  }
0x53: {  	_ =	shalt  }
0x54: {  	_ =	shalt  }
0x55: {  	_ =	shalt  }
0x56: {  	_ =	shalt  }
0x57: {  	_ =	shalt  }
0x58: {  	_ =	shalt  }
0x59: {  	_ =	shalt  }
0x5a: {  	_ =	shalt  }
0x5b: {  	_ =	shalt  }
0x5c: {  	_ =	shalt  }
0x5d: {  	_ =	shalt  }
0x5e: {  	_ =	shalt  }
0x5f: {  	_ =	shalt  }
0x60: {  	_ =	shalt  }
0x61: {  	_ =	shalt  }
0x62: {  	_ =	shalt  }
0x63: {  	_ =	shalt  }
0x64: {  	_ =	shalt  }
0x65: {  	_ =	shalt  }
0x66: {  	_ =	shalt  }
0x67: {  	_ =	shalt  }
0x68: {  	_ =	shalt  }
0x69: {  	_ =	shalt  }
0x6a: {  	_ =	shalt  }
0x6b: {  	_ =	shalt  }
0x6c: {  	_ =	shalt  }
0x6d: {  	_ =	shalt  }
0x6e: {  	_ =	shalt  }
0x6f: {  	_ =	shalt  }
0x70: {  	_ =	shalt  }
0x71: {  	_ =	shalt  }
0x72: {  	_ =	shalt  }
0x73: {  	_ =	shalt  }
0x74: {  	_ =	shalt  }
0x75: {  	_ =	shalt  }
0x76: {  	_ =	shalt  }
0x77: {  	_ =	shalt  }
0x78: {  	_ =	shalt  }
0x79: {  	_ =	shalt  }
0x7a: {  	_ =	shalt  }
0x7b: {  	_ =	shalt  }
0x7c: {  	_ =	shalt  }
0x7d: {  	_ =	shalt  }
0x7e: {  	_ =	shalt  }
0x7f: {  	_ =	shalt  }
0x80: {  	_ =	shalt  }
0x81: {  	_ =	shalt  }
0x82: {  	_ =	shalt  }
0x83: {  	_ =	shalt  }
0x84: {  	_ =	shalt  }
0x85: {  	_ =	shalt  }
0x86: {  	_ =	shalt  }
0x87: {  	_ =	shalt  }
.Lfunc_end0:
.L_simem_size_0:
called_computation_lowered:
.L_overlay_start_0:
0x88: {  	s2 =	sld [smem:$0x3FD9]  }
0x89: {  	s3 =	sld [smem:$0x3FFE];
	_ =	sdelay $0x1  }
0x8a: {  	s1 =	srdreg.scid  }
0x8b: {  	s0 =	sand.u32 $0x1, s1  }
0x8c: {  	s17 =	sshll.u32 s0, $0xA;
	s2 =	sadd.s32 s3, s2  }
0x8d: {  	s2 =	sadd.s32 s2, s17  }
0x8e: {  	[smem:$0x3FC2] =	sst s2  }
0x8f: {  	_ = 	snop  }
0x90: {  	s2 =	sld [smem:$0x3FD0];
	(tm) =	ssettm $0x1  }
0x91: {  	s18 =	sld [smem:$0x3FFB];
	_ =	sdelay $0x3  }
0x92: {  	_ =	strace s18  }
0x93: {  	s3 =	sld [smem:$0x3FFC];
	_ =	sdelay $0x3  }
0x94: {  	_ =	strace s3  }
0x95: {  	s3 =	sld [smem:$0x3FFD];
	_ =	sdelay $0x3  }
0x96: {  	_ =	strace s3  }
0x97: {  	_ =	strace $0x8FFFFFFF  }
0x98: {  	s19 =	sld [smem:$0x3FDB];
	_ =	sdelay $0x1  }
0x99: {  	s4 =	simm.s32 $_scs_section_size  }
0x9a: {  	s5 =	simm.s32 $_size__tile_overlayer_lowered;
	s6 =	simm.s32 $_tile_overlayer_lowered  }
0x9b: {  	s22 =	simm.s32 $0x1BFF;
	s21 =	sshll.u32 s6, $0x1;
	s3 =	sadd.s32 s4, s19  }
0x9c: {  	s7 =	simm.s32 $0x0;
	s20 =	sshll.u32 s5, $0x1;
	s5 =	sadd.s32 s21, s3  }
0x9d: {  	[timem:s7], [sflag:s22] =	dma.local [hbm:s5], s20  }
0x9e: {  	_ =	swait.ge [sflag:s22], s20  }
0x9f: {  	s4 =	ssub.s32 $0x0, s20;
	[sflag:s22] =	ssyncset.done $0x0  }
0xa0: {  	[sflag:s22] =	ssyncadd.s32 s4;
	_ =	sdelay $0x1  }
0xa1: {  	s23 =	simm.s32 $0x1B8B  }
0xa2: {  	_ =	swait.ge [sflag:s23], $0x1  }
0xa3: {  	[sflag:s23] =	ssyncset.done $0x0  }
0xa4: {  	s25 =	simm.s32 $0x1B8E;
	s24 =	sld [smem:$0x3FFE];
	[sflag:s23] =	ssyncadd.s32 $0xFFFFFFFF  }
0xa5: {  	s26 =	simm.s32 $execute0_lowered;
	[smem:$0x3FD2] =	sst s25  }
0xa6: {  	s5 =	sshll.u32 s26, $0x1;
	_ =	strace $0x80000046;
	[dreg:$0x1] =	wrdreg $0xFFFFFFFF  }
0xa7: {  	s28 =	simm.s32 $_size_execute0_lowered;
	s3 =	sadd.s32 s3, s5;
	[dreg:$0x0] =	wrdreg $0x0  }
0xa8: {  	s5 =	sshll.u32 s28, $0x1;
	[dreg:$0x2] =	wrdreg s3  }
0xa9: {  	[dreg:$0x3] =	wrdreg s5  }
0xaa: {  	[dreg:$0x4] =	wrdreg $0xC0  }
0xab: {  	_ =	task [dreg:s7], $0x5FFFF  }
0xac: {  	[dreg:$0x1] =	wrdreg $0xFFFFFFFF  }
0xad: {  	[dreg:$0x0] =	wrdreg $0x60  }
0xae: {  	[dreg:$0x2] =	wrdreg s2  }
0xaf: {  	[dreg:$0x3] =	wrdreg s24  }
0xb0: {  	[dreg:$0x4] =	wrdreg $0x9  }
0xb1: {  	_ =	task.clear_ibuf [dreg:s7], $0x5FFFF;
	_ =	strace $0x90000046  }
0xb2: {  	s29 =	simm.s32 $0x9;
	_ =	strace $0x80000048  }
0xb3: {  	_ =	swait.ge [sflag:s29], $0x1  }
0xb4: {  	[sflag:s29] =	ssyncadd.s32 $0xFFFFFFFF  }
0xb5: {  	_ =	strace $0x90000048  }
0xb6: {  	_ =	sfence  }
0xb7: {  	s30 =	sld [smem:$0x0];
	_ =	sdelay $0x2  }
0xb8: {  	s31 =	sshll.u32 s1, $0xD;
	s1 =	sshrl.u32 s1, $0x2  }
0xb9: {  	s3 =	sand.u32 $0x4000, s31;
	s1 =	sadd.s32 s1, s30  }
0xba: {  	s0 =	sor.u32 s3, s0;
	s1 =	sshll.u32 s1, $0x11  }
0xbb: {  	s0 =	sor.u32 s1, s0  }
0xbc: {  	s0 =	sadd.s32 $0x8F2B, s0  }
0xbd: {  	[sflag:s0] =	ssyncadd.remote.s32 $0x1  }
0xbe: {  	_ =	sfence.sel $0xFFFF  }
0xbf: {  	[dreg:$0x0] =	wrdreg $0xFFFFFFFF;
	(pc) =	sbr.abs _section_cstart, $3  }
0xc0: {  	[dreg:$0x1] =	wrdreg $0xFFFFFFFF  }
0xc1: {  	_ =	task.clear_ibuf [dreg:s7], $0x2FFFF;
	_ =	strace $0x9FFFFFFF  }
0xc2: {  	(tm) =	ssettm $0x7FFFFFFF  }
0xc3: {  	_ =	shalt  }
tec
execute0_lowered:
.L_overlay_start_1:
0x0: {  	(tag) =	ssettag $0x1  }
0x1: {  	s2 =	rddreg [dreg:$0x0]  }
0x2: {  	s18 =	rddreg [dreg:$0x1]  }
0x3: {  	s3 =	srdreg.scid;
	s0 =	rddreg [dreg:$0x2]  }
0x4: {  	s1 =	stileid.u32;
	s6 =	simm.s32 $0x800;
	s19 =	sand.u32 $0x1, s3  }
0x5: {  	s3 =	simm.s32 $0x0;
	s4 =	sshll.u32 s1, $0x8;
	s5 =	sshll.u32 s19, $0x7  }
0x6: {  	s7 =	simm.s32 $0x400;
	[smem:$0x7FF] =	sst s3;
	s20 =	sor.u32 s5, s4  }
0x7: {  	_ =	strace $0x80000047;
	s4 =	sadd.s32 $0x3600, s18;
	s5 =	sadd.s32 s20, s18  }
0x8: {  	[tilespmem:s6], [sflag:$0x1] =	stream.linear.gather [hbm4b:s4+s3], $0x4000, $0x38;
	[tilespmem:$0x4800] =	vst v63  }
0x9: {  	s9 =	simm.s32 $0x8000;
	s8 =	simm.s32 $0x2;
	s5 =	sadd.s32 $0x1600, s5  }
0xa: {  	[tilespmem:s3], [sflag:$0x2] =	stream.strided.gather [hbm4b:s5+s7], $0x800, s9, s7, $0x38;
	[tilespmem:$0x4800] =	vst v63  }
0xb: {  	_ =	swait.ge [sflag:s8], $0x800  }
0xc: {  	[sflag:s8] =	ssyncset.done $0x0  }
0xd: {  	s10 =	simm.s32 $0x1;
	[sflag:s8] =	ssyncadd.s32 $0xFFFFF800  }
0xe: {  	_ =	swait.ge [sflag:s10], $0x4000  }
0xf: {  	[sflag:s10] =	ssyncset.done $0x0  }
0x10: {  	s11 =	simm.s32 $0x80;
	[sflag:s10] =	ssyncadd.s32 $0xFFFFC000  }
0x11: {  	[tilespmem:s6], [sflag:$0x1] =	stream.indirect.gather.add.f32 [hbm:s2], $0x80, s3, s11, $0xb8;
	[tilespmem:$0x4800] =	vst v63  }
0x12: {  	_ = 	snop  }
0x13: {  	[tilespmem:s6], [sflag:$0x1] =	stream.indirect.gather.add.f32 [hbm:s2], $0x80, s11, s11, $0xb8;
	[tilespmem:$0x4800] =	vst v63  }
0x14: {  	s12 =	simm.s32 $0x100  }
0x15: {  	[tilespmem:s6], [sflag:$0x1] =	stream.indirect.gather.add.f32 [hbm:s2], $0x80, s12, s11, $0xb8;
	[tilespmem:$0x4800] =	vst v63  }
0x16: {  	s13 =	simm.s32 $0x180  }
0x17: {  	[tilespmem:s6], [sflag:$0x1] =	stream.indirect.gather.add.f32 [hbm:s2], $0x80, s13, s11, $0xb8;
	[tilespmem:$0x4800] =	vst v63  }
0x18: {  	s14 =	simm.s32 $0x200  }
0x19: {  	[tilespmem:s6], [sflag:$0x1] =	stream.indirect.gather.add.f32 [hbm:s2], $0x80, s14, s11, $0xb8;
	[tilespmem:$0x4800] =	vst v63  }
0x1a: {  	s15 =	simm.s32 $0x280  }
0x1b: {  	[tilespmem:s6], [sflag:$0x1] =	stream.indirect.gather.add.f32 [hbm:s2], $0x80, s15, s11, $0xb8;
	[tilespmem:$0x4800] =	vst v63  }
0x1c: {  	s16 =	simm.s32 $0x300  }
0x1d: {  	[tilespmem:s6], [sflag:$0x1] =	stream.indirect.gather.add.f32 [hbm:s2], $0x80, s16, s11, $0xb8;
	[tilespmem:$0x4800] =	vst v63  }
0x1e: {  	s17 =	simm.s32 $0x380  }
0x1f: {  	[tilespmem:s6], [sflag:$0x1] =	stream.indirect.gather.add.f32 [hbm:s2], $0x80, s17, s11, $0xb8;
	[tilespmem:$0x4800] =	vst v63  }
0x20: {  	_ = 	snop  }
0x21: {  	[tilespmem:s6], [sflag:$0x1] =	stream.indirect.gather.add.f32 [hbm:s2], $0x80, s7, s11, $0xb8;
	[tilespmem:$0x4800] =	vst v63  }
0x22: {  	_ =	swait.ge [sflag:s10], $0x4000  }
0x23: {  	[sflag:s10] =	ssyncset.done $0x0  }
0x24: {  	[sflag:s10] =	ssyncadd.s32 $0xFFFFC000  }
0x25: {  	_ =	swait.ge [sflag:s10], $0x4000  }
0x26: {  	[sflag:s10] =	ssyncset.done $0x0  }
0x27: {  	[sflag:s10] =	ssyncadd.s32 $0xFFFFC000  }
0x28: {  	_ =	swait.ge [sflag:s10], $0x4000  }
0x29: {  	[sflag:s10] =	ssyncset.done $0x0  }
0x2a: {  	[sflag:s10] =	ssyncadd.s32 $0xFFFFC000  }
0x2b: {  	_ =	swait.ge [sflag:s10], $0x4000  }
0x2c: {  	[sflag:s10] =	ssyncset.done $0x0  }
0x2d: {  	[sflag:s10] =	ssyncadd.s32 $0xFFFFC000  }
0x2e: {  	_ =	swait.ge [sflag:s10], $0x4000  }
0x2f: {  	[sflag:s10] =	ssyncset.done $0x0  }
0x30: {  	[sflag:s10] =	ssyncadd.s32 $0xFFFFC000  }
0x31: {  	_ =	swait.ge [sflag:s10], $0x4000  }
0x32: {  	[sflag:s10] =	ssyncset.done $0x0  }
0x33: {  	[sflag:s10] =	ssyncadd.s32 $0xFFFFC000  }
0x34: {  	_ =	swait.ge [sflag:s10], $0x4000  }
0x35: {  	[sflag:s10] =	ssyncset.done $0x0  }
0x36: {  	s19 =	ssub.s32 $0x2, s19;
	[sflag:s10] =	ssyncadd.s32 $0xFFFFC000  }
0x37: {  	s21 =	sshrl.u32 s19, $0x1;
	_ =	swait.ge [sflag:s10], $0x4000  }
0x38: {  	s19 =	ssub.s32 s19, s21;
	[sflag:s10] =	ssyncset.done $0x0  }
0x39: {  	s19 =	smax.u32 s19, $0x1;
	[sflag:s10] =	ssyncadd.s32 $0xFFFFC000  }
0x3a: {  	s20 =	sshll.u32 s20, $0x4;
	p0 =	sne.s32 s19, $0x1;
	_ =	swait.ge [sflag:s10], $0x4000  }
.Ltmp0:
0x3b: {  	s18 =	sadd.s32 s20, s18;
	[sflag:s10] =	ssyncset.done $0x0;
	(pc) =	sbr.rel @!p0 .LBB2_2-.Ltmp0, $4  }
0x3c: {  	s18 =	sadd.s32 $0x3E00, s18;
	[sflag:s10] =	ssyncadd.s32 $0xFFFFC000  }
0x3d: {  	[hbm4b:s18+s3] =	stream.linear.scatter [tilespmem:s6], [sflag:$0x2], $0x4000, $0x38;
	[tilespmem:$0x4800] =	vst v63  }
0x3e: {  	_ =	swait.ge [sflag:s8], $0x4000  }
0x3f: {  	s19 =	sadd.s32 $0xFFFFFFFF, s19;
	[sflag:s8] =	ssyncset.done $0x0  }
.LBB2_1:
0x40: {  	p0 =	sne.s32 s19, $0x1;
	s19 =	sadd.s32 $0xFFFFFFFF, s19;
	[sflag:s8] =	ssyncadd.s32 $0xFFFFC000  }
0x41: {  	[tilespmem:s6], [sflag:$0x1] =	stream.linear.gather [hbm4b:s4+s3], $0x4000, $0x38;
	[tilespmem:$0x4800] =	vst v63  }
0x42: {  	_ = 	snop  }
0x43: {  	[tilespmem:s3], [sflag:$0x2] =	stream.strided.gather [hbm4b:s5+s7], $0x800, s9, s7, $0x38;
	[tilespmem:$0x4800] =	vst v63  }
0x44: {  	_ =	swait.ge [sflag:s8], $0x800  }
0x45: {  	[sflag:s8] =	ssyncset.done $0x0  }
0x46: {  	[sflag:s8] =	ssyncadd.s32 $0xFFFFF800  }
0x47: {  	_ =	swait.ge [sflag:s10], $0x4000  }
0x48: {  	[sflag:s10] =	ssyncset.done $0x0  }
0x49: {  	[sflag:s10] =	ssyncadd.s32 $0xFFFFC000  }
0x4a: {  	[tilespmem:s6], [sflag:$0x1] =	stream.indirect.gather.add.f32 [hbm:s2], $0x80, s3, s11, $0xb8;
	[tilespmem:$0x4800] =	vst v63  }
0x4b: {  	_ = 	snop  }
0x4c: {  	[tilespmem:s6], [sflag:$0x1] =	stream.indirect.gather.add.f32 [hbm:s2], $0x80, s11, s11, $0xb8;
	[tilespmem:$0x4800] =	vst v63  }
0x4d: {  	_ = 	snop  }
0x4e: {  	[tilespmem:s6], [sflag:$0x1] =	stream.indirect.gather.add.f32 [hbm:s2], $0x80, s12, s11, $0xb8;
	[tilespmem:$0x4800] =	vst v63  }
0x4f: {  	_ = 	snop  }
0x50: {  	[tilespmem:s6], [sflag:$0x1] =	stream.indirect.gather.add.f32 [hbm:s2], $0x80, s13, s11, $0xb8;
	[tilespmem:$0x4800] =	vst v63  }
0x51: {  	_ = 	snop  }
0x52: {  	[tilespmem:s6], [sflag:$0x1] =	stream.indirect.gather.add.f32 [hbm:s2], $0x80, s14, s11, $0xb8;
	[tilespmem:$0x4800] =	vst v63  }
0x53: {  	_ = 	snop  }
0x54: {  	[tilespmem:s6], [sflag:$0x1] =	stream.indirect.gather.add.f32 [hbm:s2], $0x80, s15, s11, $0xb8;
	[tilespmem:$0x4800] =	vst v63  }
0x55: {  	_ = 	snop  }
0x56: {  	[tilespmem:s6], [sflag:$0x1] =	stream.indirect.gather.add.f32 [hbm:s2], $0x80, s16, s11, $0xb8;
	[tilespmem:$0x4800] =	vst v63  }
0x57: {  	_ = 	snop  }
0x58: {  	[tilespmem:s6], [sflag:$0x1] =	stream.indirect.gather.add.f32 [hbm:s2], $0x80, s17, s11, $0xb8;
	[tilespmem:$0x4800] =	vst v63  }
0x59: {  	_ = 	snop  }
0x5a: {  	[tilespmem:s6], [sflag:$0x1] =	stream.indirect.gather.add.f32 [hbm:s2], $0x80, s7, s11, $0xb8;
	[tilespmem:$0x4800] =	vst v63  }
0x5b: {  	_ =	swait.ge [sflag:s10], $0x4000  }
0x5c: {  	[sflag:s10] =	ssyncset.done $0x0  }
0x5d: {  	[sflag:s10] =	ssyncadd.s32 $0xFFFFC000  }
0x5e: {  	_ =	swait.ge [sflag:s10], $0x4000  }
0x5f: {  	[sflag:s10] =	ssyncset.done $0x0  }
0x60: {  	[sflag:s10] =	ssyncadd.s32 $0xFFFFC000  }
0x61: {  	_ =	swait.ge [sflag:s10], $0x4000  }
0x62: {  	[sflag:s10] =	ssyncset.done $0x0  }
0x63: {  	[sflag:s10] =	ssyncadd.s32 $0xFFFFC000  }
0x64: {  	_ =	swait.ge [sflag:s10], $0x4000  }
0x65: {  	[sflag:s10] =	ssyncset.done $0x0  }
0x66: {  	[sflag:s10] =	ssyncadd.s32 $0xFFFFC000  }
0x67: {  	_ =	swait.ge [sflag:s10], $0x4000  }
0x68: {  	[sflag:s10] =	ssyncset.done $0x0  }
0x69: {  	[sflag:s10] =	ssyncadd.s32 $0xFFFFC000  }
0x6a: {  	_ =	swait.ge [sflag:s10], $0x4000  }
0x6b: {  	[sflag:s10] =	ssyncset.done $0x0  }
0x6c: {  	[sflag:s10] =	ssyncadd.s32 $0xFFFFC000  }
0x6d: {  	_ =	swait.ge [sflag:s10], $0x4000  }
0x6e: {  	[sflag:s10] =	ssyncset.done $0x0  }
0x6f: {  	[sflag:s10] =	ssyncadd.s32 $0xFFFFC000  }
0x70: {  	_ =	swait.ge [sflag:s10], $0x4000  }
0x71: {  	[sflag:s10] =	ssyncset.done $0x0  }
0x72: {  	[sflag:s10] =	ssyncadd.s32 $0xFFFFC000  }
0x73: {  	_ =	swait.ge [sflag:s10], $0x4000  }
.Ltmp1:
0x74: {  	[sflag:s10] =	ssyncset.done $0x0;
	(pc) =	sbr.rel @p0 .LBB2_1-.Ltmp1, $4  }
0x75: {  	[sflag:s10] =	ssyncadd.s32 $0xFFFFC000  }
0x76: {  	[hbm4b:s18+s3] =	stream.linear.scatter [tilespmem:s6], [sflag:$0x2], $0x4000, $0x38;
	[tilespmem:$0x4800] =	vst v63  }
0x77: {  	_ =	swait.ge [sflag:s8], $0x4000  }
0x78: {  	[sflag:s8] =	ssyncset.done $0x0  }
.LBB2_2:
0x79: {  	[sflag:s8] =	ssyncadd.s32 $0xFFFFC000  }
0x7a: {  	_ =	sfence.sel $0x180000  }
0x7b: {  	[bflag:$0x0] =	sbarrier.arrive $0xFFFF  }
0x7c: {  	p0 =	sne.s32 s1, $0x0;
	_ =	strace $0x90000047  }
0x7d: {  	s0 =	sadd.s32 @!p0 $0x100000, s0;
	[bflag:$0x2] =	sbarrier.arrive $0xFFFF  }
0x7e: {  	[sflag:s0] =	ssyncadd.tile.s32 @!p0 $0x1;
	_ =	shalt  }
.Lfunc_end2:
_tile_overlayer_lowered:
.L_overlay_start_2:
0x7f: {  	(tag) =	ssettag $0x2  }
0x80: {  	s0 =	rddreg [dreg:$0x0];
	s2 =	stileid.u32  }
0x81: {  	s1 =	rddreg [dreg:$0x1];
	p0 =	sne.s32 s2, $0x0  }
0x82: {  	s3 =	rddreg [dreg:$0x2];
	[bflag:$0x3] =	sbarrier.arrive $0xFFFF;
	s2 =	simm.s32 @!p0 $0x1C02  }
0x83: {  	[timem:s3], [sflag:s2] =	dma.local @!p0 [hbm:s0], s1  }
0x84: {  	s0 =	simm.s32 @!p0 $0x2  }
0x85: {  	_ =	swait.ge @!p0 [sflag:s0], s1  }
0x86: {  	s1 =	ssub.s32 @!p0 $0x0, s1;
	[sflag:s0] =	ssyncset.done @!p0 $0x0  }
0x87: {  	[sflag:s0] =	ssyncadd.s32 @!p0 s1  }
0x88: {  	[bflag:$0x3] =	sbarrier.arrive $0xFFFF  }
0x89: {  	_ =	shalt  }

</sc_bundles>
